<compile_context>
chip_gen: v7x
topology: tpu7x:2x2x1
jax: 0.10.2.dev20260603
libtpu: 0.0.44.dev20260713+nightly
codegen_flags: <defaults>
</compile_context>

<pallas_src>
import functools

import jax
import jax.numpy as jnp
from jax import lax
from jax.experimental import pallas as pl
from jax.experimental.pallas import tpu as pltpu
from jax.experimental.pallas import tpu_sc as plsc

_N = 10000
_E = 320000
_DIM = 128
_LANES = 16
_NC = 2
_NS = 16
_NW = _NC * _NS
_EPW = _E // _NW


_UNROLL = 25


_NPAD = 10240
_FROWS = _NPAD // _DIM


def _occupancy_body(src_hbm, out_hbm, idx_v, flags_v, sem):
    cid = lax.axis_index("c")
    sid = lax.axis_index("s")
    wid = sid * _NC + cid
    base = wid * _EPW
    cp = pltpu.async_copy(src_hbm.at[pl.ds(base, _EPW)], idx_v, sem)

    zero = jnp.zeros((_LANES,), jnp.float32)

    def zero_body(i, carry):
        for u in range(32):
            flags_v[pl.ds((i * 32 + u) * _LANES, _LANES)] = zero
        return carry

    lax.fori_loop(0, _NPAD // (_LANES * 32), zero_body, 0)
    cp.wait()

    one = jnp.ones((_LANES,), jnp.float32)
    step = _LANES * _UNROLL

    def scatter_body(i, carry):
        for u in range(_UNROLL):
            idx = idx_v[pl.ds(i * step + u * _LANES, _LANES)]
            plsc.store_scatter(flags_v, [idx], one)
        return carry

    lax.fori_loop(0, _EPW // step, scatter_body, 0)

    pltpu.sync_copy(flags_v, out_hbm.at[wid])


@functools.lru_cache(maxsize=None)
def _get_occupancy():
    return pl.kernel(
        _occupancy_body,
        out_type=jax.ShapeDtypeStruct((_NW, _NPAD), jnp.float32),
        mesh=plsc.VectorSubcoreMesh(core_axis_name="c", subcore_axis_name="s"),
        scratch_types=[
            pltpu.VMEM((_EPW,), jnp.int32),
            pltpu.VMEM((_NPAD,), jnp.float32),
            pltpu.SemaphoreType.DMA,
        ],
        compiler_params=pltpu.CompilerParams(
            use_tc_tiling_on_sc=False, needs_layout_passes=False
        ),
    )


_BN = 2000


def _project_body(e_ref, w_ref, b_ref, o_ref):
    rows = e_ref[:]
    nrm = jnp.sqrt(jnp.sum(rows * rows, axis=1, keepdims=True))
    scale = jnp.where(nrm > 1.0, 1.0 / (nrm + 1e-7), 1.0)
    h = rows * scale
    c = lax.dot_general(
        h, w_ref[:], (((1,), (1,)), ((), ())),
        preferred_element_type=jnp.float32,
    ) + b_ref[:]
    o_ref[:] = jnp.maximum(c, 0.0)


_BM = 2048
_BMG = _BM // _DIM


def _mask_body(c_ref, f_ref, o_ref):
    i = pl.program_id(0)
    occ = jnp.zeros((_BMG, _DIM), jnp.float32)
    for w in range(_NW):
        occ = occ + f_ref[pl.ds(w * _FROWS + i * _BMG, _BMG), :]
    occ_t = jnp.transpose(occ)
    for t in range(_BMG):
        rows = pl.ds(t * _DIM, _DIM)
        o_ref[rows, :] = jnp.where(
            occ_t[:, t : t + 1] > 0.0, c_ref[rows, :], 0.0
        )


def kernel(triplets, ent_embed, W_a, b_a, W_a2, b_a2):
    src = triplets[:, 0].astype(jnp.int32)
    flags = _get_occupancy()(src).reshape(_NW * _FROWS, _DIM)
    relu_c = pl.pallas_call(
        _project_body,
        grid=(_N // _BN,),
        in_specs=[
            pl.BlockSpec((_BN, _DIM), lambda i: (i, 0)),
            pl.BlockSpec((_DIM, _DIM), lambda i: (0, 0)),
            pl.BlockSpec((1, _DIM), lambda i: (0, 0)),
        ],
        out_specs=pl.BlockSpec((_BN, _DIM), lambda i: (i, 0)),
        out_shape=jax.ShapeDtypeStruct((_N, _DIM), jnp.float32),
    )(ent_embed, W_a, b_a.reshape(1, _DIM))
    out = pl.pallas_call(
        _mask_body,
        grid=(pl.cdiv(_N, _BM),),
        in_specs=[
            pl.BlockSpec((_BM, _DIM), lambda i: (i, 0)),
            pl.BlockSpec((_NW * _FROWS, _DIM), lambda i: (0, 0)),
        ],
        out_specs=pl.BlockSpec((_BM, _DIM), lambda i: (i, 0)),
        out_shape=jax.ShapeDtypeStruct((_N, _DIM), jnp.float32),
    )(relu_c, flags)
    return out

# --- scband reference (transcript-rebuilt; emitter-appended) ---
"""Pipeline reference for scband-gat-77704548319854 (READ-ONLY COPY).

The authoritative reference and input builder live on the scoring server;
editing this copy changes nothing except your own understanding.
"""

import jax, jax.numpy as jnp
import numpy as np

N = 10000
E = 320000
IN_DIM = 128
OUT_DIM = 128
MARGIN = 6.0
EPSILON = 2.0


def setup_inputs(seed: int = 0) -> dict:
    key = jax.random.key(seed)
    ks = jax.random.split(key, 6)
    triplets = jax.random.randint(ks[0], (E, 3), 0, N)
    r = (MARGIN + EPSILON) / OUT_DIM  # 0.0625
    ent_embed = jax.random.uniform(ks[1], (N, IN_DIM), minval=-r, maxval=r, dtype=jnp.float32)
    # xavier_normal_ with gain=1.414
    W_a = jax.random.normal(ks[2], (OUT_DIM, IN_DIM), dtype=jnp.float32) * (1.414 * np.sqrt(2.0 / (IN_DIM + OUT_DIM)))
    b_a = jax.random.uniform(ks[3], (OUT_DIM,), minval=-1.0 / np.sqrt(IN_DIM), maxval=1.0 / np.sqrt(IN_DIM), dtype=jnp.float32)
    W_a2 = jax.random.normal(ks[4], (1, OUT_DIM), dtype=jnp.float32) * (1.414 * np.sqrt(2.0 / (OUT_DIM + 1)))
    b_a2 = jax.random.uniform(ks[5], (1,), minval=-1.0 / np.sqrt(OUT_DIM), maxval=1.0 / np.sqrt(OUT_DIM), dtype=jnp.float32)
    return {"triplets": triplets, "ent_embed": ent_embed, "W_a": W_a, "b_a": b_a, "W_a2": W_a2, "b_a2": b_a2}


def reference(triplets, ent_embed, W_a, b_a, W_a2, b_a2):
    src = triplets[:, 0]
    # nn.Embedding(max_norm=1, norm_type=2): gather rows, renorm rows whose L2 norm > 1
    rows = jnp.take(ent_embed, src, axis=0)  # [E, IN_DIM] gather
    norms = jnp.linalg.norm(rows, axis=-1, keepdims=True)
    scale = jnp.where(norms > 1.0, 1.0 / (norms + 1e-7), 1.0)
    h = rows * scale
    # dropout p=0.0 -> identity
    c = h @ W_a.T + b_a  # [E, OUT_DIM]
    b = -jax.nn.leaky_relu(c @ W_a2.T + b_a2, negative_slope=0.01)  # [E, 1]
    e_b = jnp.exp(b)  # [E, 1]
    # SparseNeighborhoodAggregation: sparse_coo over (src, dst) summed over dim=1
    # == scatter-add of edge values into rows indexed by src
    ebs = jax.ops.segment_sum(e_b, src, num_segments=N)  # [N, 1]
    hs = jax.ops.segment_sum(e_b * c, src, num_segments=N)  # [N, OUT_DIM]
    ebs = jnp.where(ebs == 0.0, 1e-12, ebs)
    h_ent = hs / ebs
    return jax.nn.relu(h_ent)

if __name__ == "__main__":
    import jax
    _d = setup_inputs()
    print(jax.jit(kernel)(*tuple(_d.values())))

</pallas_src>

<mosaic_0001>
#map = affine_map<(d0, d1) -> (0)>
#map1 = affine_map<(d0, d1) -> (0, 0)>
module attributes {stable_mosaic.version = 14 : i64} {
  func.func @_occupancy_body(%arg0: i32, %arg1: i32, %arg2: memref<320000xi32, #tpu.memory_space<hbm>>, %arg3: memref<32x10240xf32, #tpu.memory_space<hbm>>, %arg4: memref<10000xi32, #tpu.memory_space<vmem>>, %arg5: memref<10240xf32, #tpu.memory_space<vmem>>, %arg6: memref<!tpu.dma_semaphore, #tpu.memory_space<semaphore_mem>>) attributes {dimension_semantics = [#tpu.dimension_semantics<core_parallel>, #tpu.dimension_semantics<subcore_parallel>], iteration_bounds = array<i64: 2, 16>, scalar_prefetch = 0 : i64, scratch_operands = 3 : i64, tpu.core_type = #tpu.core_type<sc_vector_subcore>, window_params = [{transform_indices = #map}, {transform_indices = #map1}]} {
    %mul3A = arith.constant 2 : i32
    %mul3A_0 = arith.muli %arg1, %mul3A : i32
    %add3A = arith.addi %mul3A_0, %arg0 : i32
    %mul3A_1 = arith.constant 10000 : i32
    %mul3A_2 = arith.muli %add3A, %mul3A_1 : i32
    %dma_start3A = tpu.memref_slice %arg2[%mul3A_2] : memref<320000xi32, #tpu.memory_space<hbm>> -> memref<10000xi32, #tpu.memory_space<hbm>>
    %dma_start3A_3 = tpu.memref_slice %arg2[%mul3A_2] : memref<320000xi32, #tpu.memory_space<hbm>> -> memref<10000xi32, #tpu.memory_space<hbm>>
    tpu.enqueue_dma source(%dma_start3A_3 : memref<10000xi32, #tpu.memory_space<hbm>>) target(%arg4 : memref<10000xi32, #tpu.memory_space<vmem>>) target_semaphore(%arg6 : memref<!tpu.dma_semaphore, #tpu.memory_space<semaphore_mem>>)
    %broadcast_in_dim3A = arith.constant 0.000000e+00 : f32
    %broadcast_in_dim3A_4 = vector.broadcast %broadcast_in_dim3A : f32 to vector<16xf32>
    %scan3A = arith.constant 0 : i32
    %scan3A_5 = arith.constant 0 : i32
    %scan3A_6 = arith.constant 20 : i32
    %scan3A_7 = arith.addi %scan3A_5, %scan3A_6 : i32
    %scan3A_8 = arith.constant 1 : i32
    scf.for %scan3A_19 = %scan3A_5 to %scan3A_7 step %scan3A_8  : i32 {
      %mul3A_20 = arith.constant 32 : i32
      %mul3A_21 = arith.muli %scan3A_19, %mul3A_20 : i32
      %add3A_22 = arith.constant 0 : i32
      %add3A_23 = arith.addi %mul3A_21, %add3A_22 : i32
      %mul3A_24 = arith.constant 16 : i32
      %mul3A_25 = arith.muli %add3A_23, %mul3A_24 : i32
      %swap3A = arith.index_cast %mul3A_25 : i32 to index
      %swap3A_26 = tpu.vector_load %arg5[%swap3A] {strides = array<i32>} : memref<10240xf32, #tpu.memory_space<vmem>>, vector<16xf32>,
      tpu.vector_store %arg5[%swap3A], %broadcast_in_dim3A_4 {strides = array<i32>} : memref<10240xf32, #tpu.memory_space<vmem>>, vector<16xf32>,
      %mul3A_27 = arith.constant 32 : i32
      %mul3A_28 = arith.muli %scan3A_19, %mul3A_27 : i32
      %add3A_29 = arith.constant 1 : i32
      %add3A_30 = arith.addi %mul3A_28, %add3A_29 : i32
      %mul3A_31 = arith.constant 16 : i32
      %mul3A_32 = arith.muli %add3A_30, %mul3A_31 : i32
      %swap3A_33 = arith.index_cast %mul3A_32 : i32 to index
      %swap3A_34 = tpu.vector_load %arg5[%swap3A_33] {strides = array<i32>} : memref<10240xf32, #tpu.memory_space<vmem>>, vector<16xf32>,
      tpu.vector_store %arg5[%swap3A_33], %broadcast_in_dim3A_4 {strides = array<i32>} : memref<10240xf32, #tpu.memory_space<vmem>>, vector<16xf32>,
      %mul3A_35 = arith.constant 32 : i32
      %mul3A_36 = arith.muli %scan3A_19, %mul3A_35 : i32
      %add3A_37 = arith.constant 2 : i32
      %add3A_38 = arith.addi %mul3A_36, %add3A_37 : i32
      %mul3A_39 = arith.constant 16 : i32
      %mul3A_40 = arith.muli %add3A_38, %mul3A_39 : i32
      %swap3A_41 = arith.index_cast %mul3A_40 : i32 to index
      %swap3A_42 = tpu.vector_load %arg5[%swap3A_41] {strides = array<i32>} : memref<10240xf32, #tpu.memory_space<vmem>>, vector<16xf32>,
      tpu.vector_store %arg5[%swap3A_41], %broadcast_in_dim3A_4 {strides = array<i32>} : memref<10240xf32, #tpu.memory_space<vmem>>, vector<16xf32>,
      %mul3A_43 = arith.constant 32 : i32
      %mul3A_44 = arith.muli %scan3A_19, %mul3A_43 : i32
      %add3A_45 = arith.constant 3 : i32
      %add3A_46 = arith.addi %mul3A_44, %add3A_45 : i32
      %mul3A_47 = arith.constant 16 : i32
      %mul3A_48 = arith.muli %add3A_46, %mul3A_47 : i32
      %swap3A_49 = arith.index_cast %mul3A_48 : i32 to index
      %swap3A_50 = tpu.vector_load %arg5[%swap3A_49] {strides = array<i32>} : memref<10240xf32, #tpu.memory_space<vmem>>, vector<16xf32>,
      tpu.vector_store %arg5[%swap3A_49], %broadcast_in_dim3A_4 {strides = array<i32>} : memref<10240xf32, #tpu.memory_space<vmem>>, vector<16xf32>,
      %mul3A_51 = arith.constant 32 : i32
      %mul3A_52 = arith.muli %scan3A_19, %mul3A_51 : i32
      %add3A_53 = arith.constant 4 : i32
      %add3A_54 = arith.addi %mul3A_52, %add3A_53 : i32
      %mul3A_55 = arith.constant 16 : i32
      %mul3A_56 = arith.muli %add3A_54, %mul3A_55 : i32
      %swap3A_57 = arith.index_cast %mul3A_56 : i32 to index
      %swap3A_58 = tpu.vector_load %arg5[%swap3A_57] {strides = array<i32>} : memref<10240xf32, #tpu.memory_space<vmem>>, vector<16xf32>,
      tpu.vector_store %arg5[%swap3A_57], %broadcast_in_dim3A_4 {strides = array<i32>} : memref<10240xf32, #tpu.memory_space<vmem>>, vector<16xf32>,
      %mul3A_59 = arith.constant 32 : i32
      %mul3A_60 = arith.muli %scan3A_19, %mul3A_59 : i32
      %add3A_61 = arith.constant 5 : i32
      %add3A_62 = arith.addi %mul3A_60, %add3A_61 : i32
      %mul3A_63 = arith.constant 16 : i32
      %mul3A_64 = arith.muli %add3A_62, %mul3A_63 : i32
      %swap3A_65 = arith.index_cast %mul3A_64 : i32 to index
      %swap3A_66 = tpu.vector_load %arg5[%swap3A_65] {strides = array<i32>} : memref<10240xf32, #tpu.memory_space<vmem>>, vector<16xf32>,
      tpu.vector_store %arg5[%swap3A_65], %broadcast_in_dim3A_4 {strides = array<i32>} : memref<10240xf32, #tpu.memory_space<vmem>>, vector<16xf32>,
      %mul3A_67 = arith.constant 32 : i32
      %mul3A_68 = arith.muli %scan3A_19, %mul3A_67 : i32
      %add3A_69 = arith.constant 6 : i32
      %add3A_70 = arith.addi %mul3A_68, %add3A_69 : i32
      %mul3A_71 = arith.constant 16 : i32
      %mul3A_72 = arith.muli %add3A_70, %mul3A_71 : i32
      %swap3A_73 = arith.index_cast %mul3A_72 : i32 to index
      %swap3A_74 = tpu.vector_load %arg5[%swap3A_73] {strides = array<i32>} : memref<10240xf32, #tpu.memory_space<vmem>>, vector<16xf32>,
      tpu.vector_store %arg5[%swap3A_73], %broadcast_in_dim3A_4 {strides = array<i32>} : memref<10240xf32, #tpu.memory_space<vmem>>, vector<16xf32>,
      %mul3A_75 = arith.constant 32 : i32
      %mul3A_76 = arith.muli %scan3A_19, %mul3A_75 : i32
      %add3A_77 = arith.constant 7 : i32
      %add3A_78 = arith.addi %mul3A_76, %add3A_77 : i32
      %mul3A_79 = arith.constant 16 : i32
      %mul3A_80 = arith.muli %add3A_78, %mul3A_79 : i32
      %swap3A_81 = arith.index_cast %mul3A_80 : i32 to index
      %swap3A_82 = tpu.vector_load %arg5[%swap3A_81] {strides = array<i32>} : memref<10240xf32, #tpu.memory_space<vmem>>, vector<16xf32>,
      tpu.vector_store %arg5[%swap3A_81], %broadcast_in_dim3A_4 {strides = array<i32>} : memref<10240xf32, #tpu.memory_space<vmem>>, vector<16xf32>,
      %mul3A_83 = arith.constant 32 : i32
      %mul3A_84 = arith.muli %scan3A_19, %mul3A_83 : i32
      %add3A_85 = arith.constant 8 : i32
      %add3A_86 = arith.addi %mul3A_84, %add3A_85 : i32
      %mul3A_87 = arith.constant 16 : i32
      %mul3A_88 = arith.muli %add3A_86, %mul3A_87 : i32
      %swap3A_89 = arith.index_cast %mul3A_88 : i32 to index
      %swap3A_90 = tpu.vector_load %arg5[%swap3A_89] {strides = array<i32>} : memref<10240xf32, #tpu.memory_space<vmem>>, vector<16xf32>,
      tpu.vector_store %arg5[%swap3A_89], %broadcast_in_dim3A_4 {strides = array<i32>} : memref<10240xf32, #tpu.memory_space<vmem>>, vector<16xf32>,
      %mul3A_91 = arith.constant 32 : i32
      %mul3A_92 = arith.muli %scan3A_19, %mul3A_91 : i32
      %add3A_93 = arith.constant 9 : i32
      %add3A_94 = arith.addi %mul3A_92, %add3A_93 : i32
      %mul3A_95 = arith.constant 16 : i32
      %mul3A_96 = arith.muli %add3A_94, %mul3A_95 : i32
      %swap3A_97 = arith.index_cast %mul3A_96 : i32 to index
      %swap3A_98 = tpu.vector_load %arg5[%swap3A_97] {strides = array<i32>} : memref<10240xf32, #tpu.memory_space<vmem>>, vector<16xf32>,
      tpu.vector_store %arg5[%swap3A_97], %broadcast_in_dim3A_4 {strides = array<i32>} : memref<10240xf32, #tpu.memory_space<vmem>>, vector<16xf32>,
      %mul3A_99 = arith.constant 32 : i32
      %mul3A_100 = arith.muli %scan3A_19, %mul3A_99 : i32
      %add3A_101 = arith.constant 10 : i32
      %add3A_102 = arith.addi %mul3A_100, %add3A_101 : i32
      %mul3A_103 = arith.constant 16 : i32
      %mul3A_104 = arith.muli %add3A_102, %mul3A_103 : i32
      %swap3A_105 = arith.index_cast %mul3A_104 : i32 to index
      %swap3A_106 = tpu.vector_load %arg5[%swap3A_105] {strides = array<i32>} : memref<10240xf32, #tpu.memory_space<vmem>>, vector<16xf32>,
      tpu.vector_store %arg5[%swap3A_105], %broadcast_in_dim3A_4 {strides = array<i32>} : memref<10240xf32, #tpu.memory_space<vmem>>, vector<16xf32>,
      %mul3A_107 = arith.constant 32 : i32
      %mul3A_108 = arith.muli %scan3A_19, %mul3A_107 : i32
      %add3A_109 = arith.constant 11 : i32
      %add3A_110 = arith.addi %mul3A_108, %add3A_109 : i32
      %mul3A_111 = arith.constant 16 : i32
      %mul3A_112 = arith.muli %add3A_110, %mul3A_111 : i32
      %swap3A_113 = arith.index_cast %mul3A_112 : i32 to index
      %swap3A_114 = tpu.vector_load %arg5[%swap3A_113] {strides = array<i32>} : memref<10240xf32, #tpu.memory_space<vmem>>, vector<16xf32>,
      tpu.vector_store %arg5[%swap3A_113], %broadcast_in_dim3A_4 {strides = array<i32>} : memref<10240xf32, #tpu.memory_space<vmem>>, vector<16xf32>,
      %mul3A_115 = arith.constant 32 : i32
      %mul3A_116 = arith.muli %scan3A_19, %mul3A_115 : i32
      %add3A_117 = arith.constant 12 : i32
      %add3A_118 = arith.addi %mul3A_116, %add3A_117 : i32
      %mul3A_119 = arith.constant 16 : i32
      %mul3A_120 = arith.muli %add3A_118, %mul3A_119 : i32
      %swap3A_121 = arith.index_cast %mul3A_120 : i32 to index
      %swap3A_122 = tpu.vector_load %arg5[%swap3A_121] {strides = array<i32>} : memref<10240xf32, #tpu.memory_space<vmem>>, vector<16xf32>,
      tpu.vector_store %arg5[%swap3A_121], %broadcast_in_dim3A_4 {strides = array<i32>} : memref<10240xf32, #tpu.memory_space<vmem>>, vector<16xf32>,
      %mul3A_123 = arith.constant 32 : i32
      %mul3A_124 = arith.muli %scan3A_19, %mul3A_123 : i32
      %add3A_125 = arith.constant 13 : i32
      %add3A_126 = arith.addi %mul3A_124, %add3A_125 : i32
      %mul3A_127 = arith.constant 16 : i32
      %mul3A_128 = arith.muli %add3A_126, %mul3A_127 : i32
      %swap3A_129 = arith.index_cast %mul3A_128 : i32 to index
      %swap3A_130 = tpu.vector_load %arg5[%swap3A_129] {strides = array<i32>} : memref<10240xf32, #tpu.memory_space<vmem>>, vector<16xf32>,
      tpu.vector_store %arg5[%swap3A_129], %broadcast_in_dim3A_4 {strides = array<i32>} : memref<10240xf32, #tpu.memory_space<vmem>>, vector<16xf32>,
      %mul3A_131 = arith.constant 32 : i32
      %mul3A_132 = arith.muli %scan3A_19, %mul3A_131 : i32
      %add3A_133 = arith.constant 14 : i32
      %add3A_134 = arith.addi %mul3A_132, %add3A_133 : i32
      %mul3A_135 = arith.constant 16 : i32
      %mul3A_136 = arith.muli %add3A_134, %mul3A_135 : i32
      %swap3A_137 = arith.index_cast %mul3A_136 : i32 to index
      %swap3A_138 = tpu.vector_load %arg5[%swap3A_137] {strides = array<i32>} : memref<10240xf32, #tpu.memory_space<vmem>>, vector<16xf32>,
      tpu.vector_store %arg5[%swap3A_137], %broadcast_in_dim3A_4 {strides = array<i32>} : memref<10240xf32, #tpu.memory_space<vmem>>, vector<16xf32>,
      %mul3A_139 = arith.constant 32 : i32
      %mul3A_140 = arith.muli %scan3A_19, %mul3A_139 : i32
      %add3A_141 = arith.constant 15 : i32
      %add3A_142 = arith.addi %mul3A_140, %add3A_141 : i32
      %mul3A_143 = arith.constant 16 : i32
      %mul3A_144 = arith.muli %add3A_142, %mul3A_143 : i32
      %swap3A_145 = arith.index_cast %mul3A_144 : i32 to index
      %swap3A_146 = tpu.vector_load %arg5[%swap3A_145] {strides = array<i32>} : memref<10240xf32, #tpu.memory_space<vmem>>, vector<16xf32>,
      tpu.vector_store %arg5[%swap3A_145], %broadcast_in_dim3A_4 {strides = array<i32>} : memref<10240xf32, #tpu.memory_space<vmem>>, vector<16xf32>,
      %mul3A_147 = arith.constant 32 : i32
      %mul3A_148 = arith.muli %scan3A_19, %mul3A_147 : i32
      %add3A_149 = arith.constant 16 : i32
      %add3A_150 = arith.addi %mul3A_148, %add3A_149 : i32
      %mul3A_151 = arith.constant 16 : i32
      %mul3A_152 = arith.muli %add3A_150, %mul3A_151 : i32
      %swap3A_153 = arith.index_cast %mul3A_152 : i32 to index
      %swap3A_154 = tpu.vector_load %arg5[%swap3A_153] {strides = array<i32>} : memref<10240xf32, #tpu.memory_space<vmem>>, vector<16xf32>,
      tpu.vector_store %arg5[%swap3A_153], %broadcast_in_dim3A_4 {strides = array<i32>} : memref<10240xf32, #tpu.memory_space<vmem>>, vector<16xf32>,
      %mul3A_155 = arith.constant 32 : i32
      %mul3A_156 = arith.muli %scan3A_19, %mul3A_155 : i32
      %add3A_157 = arith.constant 17 : i32
      %add3A_158 = arith.addi %mul3A_156, %add3A_157 : i32
      %mul3A_159 = arith.constant 16 : i32
      %mul3A_160 = arith.muli %add3A_158, %mul3A_159 : i32
      %swap3A_161 = arith.index_cast %mul3A_160 : i32 to index
      %swap3A_162 = tpu.vector_load %arg5[%swap3A_161] {strides = array<i32>} : memref<10240xf32, #tpu.memory_space<vmem>>, vector<16xf32>,
      tpu.vector_store %arg5[%swap3A_161], %broadcast_in_dim3A_4 {strides = array<i32>} : memref<10240xf32, #tpu.memory_space<vmem>>, vector<16xf32>,
      %mul3A_163 = arith.constant 32 : i32
      %mul3A_164 = arith.muli %scan3A_19, %mul3A_163 : i32
      %add3A_165 = arith.constant 18 : i32
      %add3A_166 = arith.addi %mul3A_164, %add3A_165 : i32
      %mul3A_167 = arith.constant 16 : i32
      %mul3A_168 = arith.muli %add3A_166, %mul3A_167 : i32
      %swap3A_169 = arith.index_cast %mul3A_168 : i32 to index
      %swap3A_170 = tpu.vector_load %arg5[%swap3A_169] {strides = array<i32>} : memref<10240xf32, #tpu.memory_space<vmem>>, vector<16xf32>,
      tpu.vector_store %arg5[%swap3A_169], %broadcast_in_dim3A_4 {strides = array<i32>} : memref<10240xf32, #tpu.memory_space<vmem>>, vector<16xf32>,
      %mul3A_171 = arith.constant 32 : i32
      %mul3A_172 = arith.muli %scan3A_19, %mul3A_171 : i32
      %add3A_173 = arith.constant 19 : i32
      %add3A_174 = arith.addi %mul3A_172, %add3A_173 : i32
      %mul3A_175 = arith.constant 16 : i32
      %mul3A_176 = arith.muli %add3A_174, %mul3A_175 : i32
      %swap3A_177 = arith.index_cast %mul3A_176 : i32 to index
      %swap3A_178 = tpu.vector_load %arg5[%swap3A_177] {strides = array<i32>} : memref<10240xf32, #tpu.memory_space<vmem>>, vector<16xf32>,
      tpu.vector_store %arg5[%swap3A_177], %broadcast_in_dim3A_4 {strides = array<i32>} : memref<10240xf32, #tpu.memory_space<vmem>>, vector<16xf32>,
      %mul3A_179 = arith.constant 32 : i32
      %mul3A_180 = arith.muli %scan3A_19, %mul3A_179 : i32
      %add3A_181 = arith.constant 20 : i32
      %add3A_182 = arith.addi %mul3A_180, %add3A_181 : i32
      %mul3A_183 = arith.constant 16 : i32
      %mul3A_184 = arith.muli %add3A_182, %mul3A_183 : i32
      %swap3A_185 = arith.index_cast %mul3A_184 : i32 to index
      %swap3A_186 = tpu.vector_load %arg5[%swap3A_185] {strides = array<i32>} : memref<10240xf32, #tpu.memory_space<vmem>>, vector<16xf32>,
      tpu.vector_store %arg5[%swap3A_185], %broadcast_in_dim3A_4 {strides = array<i32>} : memref<10240xf32, #tpu.memory_space<vmem>>, vector<16xf32>,
      %mul3A_187 = arith.constant 32 : i32
      %mul3A_188 = arith.muli %scan3A_19, %mul3A_187 : i32
      %add3A_189 = arith.constant 21 : i32
      %add3A_190 = arith.addi %mul3A_188, %add3A_189 : i32
      %mul3A_191 = arith.constant 16 : i32
      %mul3A_192 = arith.muli %add3A_190, %mul3A_191 : i32
      %swap3A_193 = arith.index_cast %mul3A_192 : i32 to index
      %swap3A_194 = tpu.vector_load %arg5[%swap3A_193] {strides = array<i32>} : memref<10240xf32, #tpu.memory_space<vmem>>, vector<16xf32>,
      tpu.vector_store %arg5[%swap3A_193], %broadcast_in_dim3A_4 {strides = array<i32>} : memref<10240xf32, #tpu.memory_space<vmem>>, vector<16xf32>,
      %mul3A_195 = arith.constant 32 : i32
      %mul3A_196 = arith.muli %scan3A_19, %mul3A_195 : i32
      %add3A_197 = arith.constant 22 : i32
      %add3A_198 = arith.addi %mul3A_196, %add3A_197 : i32
      %mul3A_199 = arith.constant 16 : i32
      %mul3A_200 = arith.muli %add3A_198, %mul3A_199 : i32
      %swap3A_201 = arith.index_cast %mul3A_200 : i32 to index
      %swap3A_202 = tpu.vector_load %arg5[%swap3A_201] {strides = array<i32>} : memref<10240xf32, #tpu.memory_space<vmem>>, vector<16xf32>,
      tpu.vector_store %arg5[%swap3A_201], %broadcast_in_dim3A_4 {strides = array<i32>} : memref<10240xf32, #tpu.memory_space<vmem>>, vector<16xf32>,
      %mul3A_203 = arith.constant 32 : i32
      %mul3A_204 = arith.muli %scan3A_19, %mul3A_203 : i32
      %add3A_205 = arith.constant 23 : i32
      %add3A_206 = arith.addi %mul3A_204, %add3A_205 : i32
      %mul3A_207 = arith.constant 16 : i32
      %mul3A_208 = arith.muli %add3A_206, %mul3A_207 : i32
      %swap3A_209 = arith.index_cast %mul3A_208 : i32 to index
      %swap3A_210 = tpu.vector_load %arg5[%swap3A_209] {strides = array<i32>} : memref<10240xf32, #tpu.memory_space<vmem>>, vector<16xf32>,
      tpu.vector_store %arg5[%swap3A_209], %broadcast_in_dim3A_4 {strides = array<i32>} : memref<10240xf32, #tpu.memory_space<vmem>>, vector<16xf32>,
      %mul3A_211 = arith.constant 32 : i32
      %mul3A_212 = arith.muli %scan3A_19, %mul3A_211 : i32
      %add3A_213 = arith.constant 24 : i32
      %add3A_214 = arith.addi %mul3A_212, %add3A_213 : i32
      %mul3A_215 = arith.constant 16 : i32
      %mul3A_216 = arith.muli %add3A_214, %mul3A_215 : i32
      %swap3A_217 = arith.index_cast %mul3A_216 : i32 to index
      %swap3A_218 = tpu.vector_load %arg5[%swap3A_217] {strides = array<i32>} : memref<10240xf32, #tpu.memory_space<vmem>>, vector<16xf32>,
      tpu.vector_store %arg5[%swap3A_217], %broadcast_in_dim3A_4 {strides = array<i32>} : memref<10240xf32, #tpu.memory_space<vmem>>, vector<16xf32>,
      %mul3A_219 = arith.constant 32 : i32
      %mul3A_220 = arith.muli %scan3A_19, %mul3A_219 : i32
      %add3A_221 = arith.constant 25 : i32
      %add3A_222 = arith.addi %mul3A_220, %add3A_221 : i32
      %mul3A_223 = arith.constant 16 : i32
      %mul3A_224 = arith.muli %add3A_222, %mul3A_223 : i32
      %swap3A_225 = arith.index_cast %mul3A_224 : i32 to index
      %swap3A_226 = tpu.vector_load %arg5[%swap3A_225] {strides = array<i32>} : memref<10240xf32, #tpu.memory_space<vmem>>, vector<16xf32>,
      tpu.vector_store %arg5[%swap3A_225], %broadcast_in_dim3A_4 {strides = array<i32>} : memref<10240xf32, #tpu.memory_space<vmem>>, vector<16xf32>,
      %mul3A_227 = arith.constant 32 : i32
      %mul3A_228 = arith.muli %scan3A_19, %mul3A_227 : i32
      %add3A_229 = arith.constant 26 : i32
      %add3A_230 = arith.addi %mul3A_228, %add3A_229 : i32
      %mul3A_231 = arith.constant 16 : i32
      %mul3A_232 = arith.muli %add3A_230, %mul3A_231 : i32
      %swap3A_233 = arith.index_cast %mul3A_232 : i32 to index
      %swap3A_234 = tpu.vector_load %arg5[%swap3A_233] {strides = array<i32>} : memref<10240xf32, #tpu.memory_space<vmem>>, vector<16xf32>,
      tpu.vector_store %arg5[%swap3A_233], %broadcast_in_dim3A_4 {strides = array<i32>} : memref<10240xf32, #tpu.memory_space<vmem>>, vector<16xf32>,
      %mul3A_235 = arith.constant 32 : i32
      %mul3A_236 = arith.muli %scan3A_19, %mul3A_235 : i32
      %add3A_237 = arith.constant 27 : i32
      %add3A_238 = arith.addi %mul3A_236, %add3A_237 : i32
      %mul3A_239 = arith.constant 16 : i32
      %mul3A_240 = arith.muli %add3A_238, %mul3A_239 : i32
      %swap3A_241 = arith.index_cast %mul3A_240 : i32 to index
      %swap3A_242 = tpu.vector_load %arg5[%swap3A_241] {strides = array<i32>} : memref<10240xf32, #tpu.memory_space<vmem>>, vector<16xf32>,
      tpu.vector_store %arg5[%swap3A_241], %broadcast_in_dim3A_4 {strides = array<i32>} : memref<10240xf32, #tpu.memory_space<vmem>>, vector<16xf32>,
      %mul3A_243 = arith.constant 32 : i32
      %mul3A_244 = arith.muli %scan3A_19, %mul3A_243 : i32
      %add3A_245 = arith.constant 28 : i32
      %add3A_246 = arith.addi %mul3A_244, %add3A_245 : i32
      %mul3A_247 = arith.constant 16 : i32
      %mul3A_248 = arith.muli %add3A_246, %mul3A_247 : i32
      %swap3A_249 = arith.index_cast %mul3A_248 : i32 to index
      %swap3A_250 = tpu.vector_load %arg5[%swap3A_249] {strides = array<i32>} : memref<10240xf32, #tpu.memory_space<vmem>>, vector<16xf32>,
      tpu.vector_store %arg5[%swap3A_249], %broadcast_in_dim3A_4 {strides = array<i32>} : memref<10240xf32, #tpu.memory_space<vmem>>, vector<16xf32>,
      %mul3A_251 = arith.constant 32 : i32
      %mul3A_252 = arith.muli %scan3A_19, %mul3A_251 : i32
      %add3A_253 = arith.constant 29 : i32
      %add3A_254 = arith.addi %mul3A_252, %add3A_253 : i32
      %mul3A_255 = arith.constant 16 : i32
      %mul3A_256 = arith.muli %add3A_254, %mul3A_255 : i32
      %swap3A_257 = arith.index_cast %mul3A_256 : i32 to index
      %swap3A_258 = tpu.vector_load %arg5[%swap3A_257] {strides = array<i32>} : memref<10240xf32, #tpu.memory_space<vmem>>, vector<16xf32>,
      tpu.vector_store %arg5[%swap3A_257], %broadcast_in_dim3A_4 {strides = array<i32>} : memref<10240xf32, #tpu.memory_space<vmem>>, vector<16xf32>,
      %mul3A_259 = arith.constant 32 : i32
      %mul3A_260 = arith.muli %scan3A_19, %mul3A_259 : i32
      %add3A_261 = arith.constant 30 : i32
      %add3A_262 = arith.addi %mul3A_260, %add3A_261 : i32
      %mul3A_263 = arith.constant 16 : i32
      %mul3A_264 = arith.muli %add3A_262, %mul3A_263 : i32
      %swap3A_265 = arith.index_cast %mul3A_264 : i32 to index
      %swap3A_266 = tpu.vector_load %arg5[%swap3A_265] {strides = array<i32>} : memref<10240xf32, #tpu.memory_space<vmem>>, vector<16xf32>,
      tpu.vector_store %arg5[%swap3A_265], %broadcast_in_dim3A_4 {strides = array<i32>} : memref<10240xf32, #tpu.memory_space<vmem>>, vector<16xf32>,
      %mul3A_267 = arith.constant 32 : i32
      %mul3A_268 = arith.muli %scan3A_19, %mul3A_267 : i32
      %add3A_269 = arith.constant 31 : i32
      %add3A_270 = arith.addi %mul3A_268, %add3A_269 : i32
      %mul3A_271 = arith.constant 16 : i32
      %mul3A_272 = arith.muli %add3A_270, %mul3A_271 : i32
      %swap3A_273 = arith.index_cast %mul3A_272 : i32 to index
      %swap3A_274 = tpu.vector_load %arg5[%swap3A_273] {strides = array<i32>} : memref<10240xf32, #tpu.memory_space<vmem>>, vector<16xf32>,
      tpu.vector_store %arg5[%swap3A_273], %broadcast_in_dim3A_4 {strides = array<i32>} : memref<10240xf32, #tpu.memory_space<vmem>>, vector<16xf32>,
    }
    %scan3A_9 = arith.constant 20 : i32
    %dma_wait3A = tpu.memref_slice %arg2[%mul3A_2] : memref<320000xi32, #tpu.memory_space<hbm>> -> memref<10000xi32, #tpu.memory_space<hbm>>
    %dma_wait3A_10 = tpu.memref_slice %arg2[%mul3A_2] : memref<320000xi32, #tpu.memory_space<hbm>> -> memref<10000xi32, #tpu.memory_space<hbm>>
    tpu.wait_dma2 semaphore(%arg6 : memref<!tpu.dma_semaphore, #tpu.memory_space<semaphore_mem>>) src(%dma_wait3A_10 : memref<10000xi32, #tpu.memory_space<hbm>>) dst(%arg4 : memref<10000xi32, #tpu.memory_space<vmem>>)
    %broadcast_in_dim3A_11 = arith.constant 1.000000e+00 : f32
    %broadcast_in_dim3A_12 = vector.broadcast %broadcast_in_dim3A_11 : f32 to vector<16xf32>
    %scan3A_13 = arith.constant 0 : i32
    %scan3A_14 = arith.constant 0 : i32
    %scan3A_15 = arith.constant 25 : i32
    %scan3A_16 = arith.addi %scan3A_14, %scan3A_15 : i32
    %scan3A_17 = arith.constant 1 : i32
    scf.for %scan3A_19 = %scan3A_14 to %scan3A_16 step %scan3A_17  : i32 {
      %mul3A_20 = arith.constant 400 : i32
      %mul3A_21 = arith.muli %scan3A_19, %mul3A_20 : i32
      %add3A_22 = arith.constant 0 : i32
      %add3A_23 = arith.addi %mul3A_21, %add3A_22 : i32
      %get3A = arith.index_cast %add3A_23 : i32 to index
      %get3A_24 = tpu.vector_load %arg4[%get3A] {strides = array<i32>} : memref<10000xi32, #tpu.memory_space<vmem>>, vector<16xi32>,
      tpu.vector_store_idx %arg5[%get3A_24], %broadcast_in_dim3A_12 : memref<10240xf32, #tpu.memory_space<vmem>>[vector<16xi32>], vector<16xf32>,
      %mul3A_25 = arith.constant 400 : i32
      %mul3A_26 = arith.muli %scan3A_19, %mul3A_25 : i32
      %add3A_27 = arith.constant 16 : i32
      %add3A_28 = arith.addi %mul3A_26, %add3A_27 : i32
      %get3A_29 = arith.index_cast %add3A_28 : i32 to index
      %get3A_30 = tpu.vector_load %arg4[%get3A_29] {strides = array<i32>} : memref<10000xi32, #tpu.memory_space<vmem>>, vector<16xi32>,
      tpu.vector_store_idx %arg5[%get3A_30], %broadcast_in_dim3A_12 : memref<10240xf32, #tpu.memory_space<vmem>>[vector<16xi32>], vector<16xf32>,
      %mul3A_31 = arith.constant 400 : i32
      %mul3A_32 = arith.muli %scan3A_19, %mul3A_31 : i32
      %add3A_33 = arith.constant 32 : i32
      %add3A_34 = arith.addi %mul3A_32, %add3A_33 : i32
      %get3A_35 = arith.index_cast %add3A_34 : i32 to index
      %get3A_36 = tpu.vector_load %arg4[%get3A_35] {strides = array<i32>} : memref<10000xi32, #tpu.memory_space<vmem>>, vector<16xi32>,
      tpu.vector_store_idx %arg5[%get3A_36], %broadcast_in_dim3A_12 : memref<10240xf32, #tpu.memory_space<vmem>>[vector<16xi32>], vector<16xf32>,
      %mul3A_37 = arith.constant 400 : i32
      %mul3A_38 = arith.muli %scan3A_19, %mul3A_37 : i32
      %add3A_39 = arith.constant 48 : i32
      %add3A_40 = arith.addi %mul3A_38, %add3A_39 : i32
      %get3A_41 = arith.index_cast %add3A_40 : i32 to index
      %get3A_42 = tpu.vector_load %arg4[%get3A_41] {strides = array<i32>} : memref<10000xi32, #tpu.memory_space<vmem>>, vector<16xi32>,
      tpu.vector_store_idx %arg5[%get3A_42], %broadcast_in_dim3A_12 : memref<10240xf32, #tpu.memory_space<vmem>>[vector<16xi32>], vector<16xf32>,
      %mul3A_43 = arith.constant 400 : i32
      %mul3A_44 = arith.muli %scan3A_19, %mul3A_43 : i32
      %add3A_45 = arith.constant 64 : i32
      %add3A_46 = arith.addi %mul3A_44, %add3A_45 : i32
      %get3A_47 = arith.index_cast %add3A_46 : i32 to index
      %get3A_48 = tpu.vector_load %arg4[%get3A_47] {strides = array<i32>} : memref<10000xi32, #tpu.memory_space<vmem>>, vector<16xi32>,
      tpu.vector_store_idx %arg5[%get3A_48], %broadcast_in_dim3A_12 : memref<10240xf32, #tpu.memory_space<vmem>>[vector<16xi32>], vector<16xf32>,
      %mul3A_49 = arith.constant 400 : i32
      %mul3A_50 = arith.muli %scan3A_19, %mul3A_49 : i32
      %add3A_51 = arith.constant 80 : i32
      %add3A_52 = arith.addi %mul3A_50, %add3A_51 : i32
      %get3A_53 = arith.index_cast %add3A_52 : i32 to index
      %get3A_54 = tpu.vector_load %arg4[%get3A_53] {strides = array<i32>} : memref<10000xi32, #tpu.memory_space<vmem>>, vector<16xi32>,
      tpu.vector_store_idx %arg5[%get3A_54], %broadcast_in_dim3A_12 : memref<10240xf32, #tpu.memory_space<vmem>>[vector<16xi32>], vector<16xf32>,
      %mul3A_55 = arith.constant 400 : i32
      %mul3A_56 = arith.muli %scan3A_19, %mul3A_55 : i32
      %add3A_57 = arith.constant 96 : i32
      %add3A_58 = arith.addi %mul3A_56, %add3A_57 : i32
      %get3A_59 = arith.index_cast %add3A_58 : i32 to index
      %get3A_60 = tpu.vector_load %arg4[%get3A_59] {strides = array<i32>} : memref<10000xi32, #tpu.memory_space<vmem>>, vector<16xi32>,
      tpu.vector_store_idx %arg5[%get3A_60], %broadcast_in_dim3A_12 : memref<10240xf32, #tpu.memory_space<vmem>>[vector<16xi32>], vector<16xf32>,
      %mul3A_61 = arith.constant 400 : i32
      %mul3A_62 = arith.muli %scan3A_19, %mul3A_61 : i32
      %add3A_63 = arith.constant 112 : i32
      %add3A_64 = arith.addi %mul3A_62, %add3A_63 : i32
      %get3A_65 = arith.index_cast %add3A_64 : i32 to index
      %get3A_66 = tpu.vector_load %arg4[%get3A_65] {strides = array<i32>} : memref<10000xi32, #tpu.memory_space<vmem>>, vector<16xi32>,
      tpu.vector_store_idx %arg5[%get3A_66], %broadcast_in_dim3A_12 : memref<10240xf32, #tpu.memory_space<vmem>>[vector<16xi32>], vector<16xf32>,
      %mul3A_67 = arith.constant 400 : i32
      %mul3A_68 = arith.muli %scan3A_19, %mul3A_67 : i32
      %add3A_69 = arith.constant 128 : i32
      %add3A_70 = arith.addi %mul3A_68, %add3A_69 : i32
      %get3A_71 = arith.index_cast %add3A_70 : i32 to index
      %get3A_72 = tpu.vector_load %arg4[%get3A_71] {strides = array<i32>} : memref<10000xi32, #tpu.memory_space<vmem>>, vector<16xi32>,
      tpu.vector_store_idx %arg5[%get3A_72], %broadcast_in_dim3A_12 : memref<10240xf32, #tpu.memory_space<vmem>>[vector<16xi32>], vector<16xf32>,
      %mul3A_73 = arith.constant 400 : i32
      %mul3A_74 = arith.muli %scan3A_19, %mul3A_73 : i32
      %add3A_75 = arith.constant 144 : i32
      %add3A_76 = arith.addi %mul3A_74, %add3A_75 : i32
      %get3A_77 = arith.index_cast %add3A_76 : i32 to index
      %get3A_78 = tpu.vector_load %arg4[%get3A_77] {strides = array<i32>} : memref<10000xi32, #tpu.memory_space<vmem>>, vector<16xi32>,
      tpu.vector_store_idx %arg5[%get3A_78], %broadcast_in_dim3A_12 : memref<10240xf32, #tpu.memory_space<vmem>>[vector<16xi32>], vector<16xf32>,
      %mul3A_79 = arith.constant 400 : i32
      %mul3A_80 = arith.muli %scan3A_19, %mul3A_79 : i32
      %add3A_81 = arith.constant 160 : i32
      %add3A_82 = arith.addi %mul3A_80, %add3A_81 : i32
      %get3A_83 = arith.index_cast %add3A_82 : i32 to index
      %get3A_84 = tpu.vector_load %arg4[%get3A_83] {strides = array<i32>} : memref<10000xi32, #tpu.memory_space<vmem>>, vector<16xi32>,
      tpu.vector_store_idx %arg5[%get3A_84], %broadcast_in_dim3A_12 : memref<10240xf32, #tpu.memory_space<vmem>>[vector<16xi32>], vector<16xf32>,
      %mul3A_85 = arith.constant 400 : i32
      %mul3A_86 = arith.muli %scan3A_19, %mul3A_85 : i32
      %add3A_87 = arith.constant 176 : i32
      %add3A_88 = arith.addi %mul3A_86, %add3A_87 : i32
      %get3A_89 = arith.index_cast %add3A_88 : i32 to index
      %get3A_90 = tpu.vector_load %arg4[%get3A_89] {strides = array<i32>} : memref<10000xi32, #tpu.memory_space<vmem>>, vector<16xi32>,
      tpu.vector_store_idx %arg5[%get3A_90], %broadcast_in_dim3A_12 : memref<10240xf32, #tpu.memory_space<vmem>>[vector<16xi32>], vector<16xf32>,
      %mul3A_91 = arith.constant 400 : i32
      %mul3A_92 = arith.muli %scan3A_19, %mul3A_91 : i32
      %add3A_93 = arith.constant 192 : i32
      %add3A_94 = arith.addi %mul3A_92, %add3A_93 : i32
      %get3A_95 = arith.index_cast %add3A_94 : i32 to index
      %get3A_96 = tpu.vector_load %arg4[%get3A_95] {strides = array<i32>} : memref<10000xi32, #tpu.memory_space<vmem>>, vector<16xi32>,
      tpu.vector_store_idx %arg5[%get3A_96], %broadcast_in_dim3A_12 : memref<10240xf32, #tpu.memory_space<vmem>>[vector<16xi32>], vector<16xf32>,
      %mul3A_97 = arith.constant 400 : i32
      %mul3A_98 = arith.muli %scan3A_19, %mul3A_97 : i32
      %add3A_99 = arith.constant 208 : i32
      %add3A_100 = arith.addi %mul3A_98, %add3A_99 : i32
      %get3A_101 = arith.index_cast %add3A_100 : i32 to index
      %get3A_102 = tpu.vector_load %arg4[%get3A_101] {strides = array<i32>} : memref<10000xi32, #tpu.memory_space<vmem>>, vector<16xi32>,
      tpu.vector_store_idx %arg5[%get3A_102], %broadcast_in_dim3A_12 : memref<10240xf32, #tpu.memory_space<vmem>>[vector<16xi32>], vector<16xf32>,
      %mul3A_103 = arith.constant 400 : i32
      %mul3A_104 = arith.muli %scan3A_19, %mul3A_103 : i32
      %add3A_105 = arith.constant 224 : i32
      %add3A_106 = arith.addi %mul3A_104, %add3A_105 : i32
      %get3A_107 = arith.index_cast %add3A_106 : i32 to index
      %get3A_108 = tpu.vector_load %arg4[%get3A_107] {strides = array<i32>} : memref<10000xi32, #tpu.memory_space<vmem>>, vector<16xi32>,
      tpu.vector_store_idx %arg5[%get3A_108], %broadcast_in_dim3A_12 : memref<10240xf32, #tpu.memory_space<vmem>>[vector<16xi32>], vector<16xf32>,
      %mul3A_109 = arith.constant 400 : i32
      %mul3A_110 = arith.muli %scan3A_19, %mul3A_109 : i32
      %add3A_111 = arith.constant 240 : i32
      %add3A_112 = arith.addi %mul3A_110, %add3A_111 : i32
      %get3A_113 = arith.index_cast %add3A_112 : i32 to index
      %get3A_114 = tpu.vector_load %arg4[%get3A_113] {strides = array<i32>} : memref<10000xi32, #tpu.memory_space<vmem>>, vector<16xi32>,
      tpu.vector_store_idx %arg5[%get3A_114], %broadcast_in_dim3A_12 : memref<10240xf32, #tpu.memory_space<vmem>>[vector<16xi32>], vector<16xf32>,
      %mul3A_115 = arith.constant 400 : i32
      %mul3A_116 = arith.muli %scan3A_19, %mul3A_115 : i32
      %add3A_117 = arith.constant 256 : i32
      %add3A_118 = arith.addi %mul3A_116, %add3A_117 : i32
      %get3A_119 = arith.index_cast %add3A_118 : i32 to index
      %get3A_120 = tpu.vector_load %arg4[%get3A_119] {strides = array<i32>} : memref<10000xi32, #tpu.memory_space<vmem>>, vector<16xi32>,
      tpu.vector_store_idx %arg5[%get3A_120], %broadcast_in_dim3A_12 : memref<10240xf32, #tpu.memory_space<vmem>>[vector<16xi32>], vector<16xf32>,
      %mul3A_121 = arith.constant 400 : i32
      %mul3A_122 = arith.muli %scan3A_19, %mul3A_121 : i32
      %add3A_123 = arith.constant 272 : i32
      %add3A_124 = arith.addi %mul3A_122, %add3A_123 : i32
      %get3A_125 = arith.index_cast %add3A_124 : i32 to index
      %get3A_126 = tpu.vector_load %arg4[%get3A_125] {strides = array<i32>} : memref<10000xi32, #tpu.memory_space<vmem>>, vector<16xi32>,
      tpu.vector_store_idx %arg5[%get3A_126], %broadcast_in_dim3A_12 : memref<10240xf32, #tpu.memory_space<vmem>>[vector<16xi32>], vector<16xf32>,
      %mul3A_127 = arith.constant 400 : i32
      %mul3A_128 = arith.muli %scan3A_19, %mul3A_127 : i32
      %add3A_129 = arith.constant 288 : i32
      %add3A_130 = arith.addi %mul3A_128, %add3A_129 : i32
      %get3A_131 = arith.index_cast %add3A_130 : i32 to index
      %get3A_132 = tpu.vector_load %arg4[%get3A_131] {strides = array<i32>} : memref<10000xi32, #tpu.memory_space<vmem>>, vector<16xi32>,
      tpu.vector_store_idx %arg5[%get3A_132], %broadcast_in_dim3A_12 : memref<10240xf32, #tpu.memory_space<vmem>>[vector<16xi32>], vector<16xf32>,
      %mul3A_133 = arith.constant 400 : i32
      %mul3A_134 = arith.muli %scan3A_19, %mul3A_133 : i32
      %add3A_135 = arith.constant 304 : i32
      %add3A_136 = arith.addi %mul3A_134, %add3A_135 : i32
      %get3A_137 = arith.index_cast %add3A_136 : i32 to index
      %get3A_138 = tpu.vector_load %arg4[%get3A_137] {strides = array<i32>} : memref<10000xi32, #tpu.memory_space<vmem>>, vector<16xi32>,
      tpu.vector_store_idx %arg5[%get3A_138], %broadcast_in_dim3A_12 : memref<10240xf32, #tpu.memory_space<vmem>>[vector<16xi32>], vector<16xf32>,
      %mul3A_139 = arith.constant 400 : i32
      %mul3A_140 = arith.muli %scan3A_19, %mul3A_139 : i32
      %add3A_141 = arith.constant 320 : i32
      %add3A_142 = arith.addi %mul3A_140, %add3A_141 : i32
      %get3A_143 = arith.index_cast %add3A_142 : i32 to index
      %get3A_144 = tpu.vector_load %arg4[%get3A_143] {strides = array<i32>} : memref<10000xi32, #tpu.memory_space<vmem>>, vector<16xi32>,
      tpu.vector_store_idx %arg5[%get3A_144], %broadcast_in_dim3A_12 : memref<10240xf32, #tpu.memory_space<vmem>>[vector<16xi32>], vector<16xf32>,
      %mul3A_145 = arith.constant 400 : i32
      %mul3A_146 = arith.muli %scan3A_19, %mul3A_145 : i32
      %add3A_147 = arith.constant 336 : i32
      %add3A_148 = arith.addi %mul3A_146, %add3A_147 : i32
      %get3A_149 = arith.index_cast %add3A_148 : i32 to index
      %get3A_150 = tpu.vector_load %arg4[%get3A_149] {strides = array<i32>} : memref<10000xi32, #tpu.memory_space<vmem>>, vector<16xi32>,
      tpu.vector_store_idx %arg5[%get3A_150], %broadcast_in_dim3A_12 : memref<10240xf32, #tpu.memory_space<vmem>>[vector<16xi32>], vector<16xf32>,
      %mul3A_151 = arith.constant 400 : i32
      %mul3A_152 = arith.muli %scan3A_19, %mul3A_151 : i32
      %add3A_153 = arith.constant 352 : i32
      %add3A_154 = arith.addi %mul3A_152, %add3A_153 : i32
      %get3A_155 = arith.index_cast %add3A_154 : i32 to index
      %get3A_156 = tpu.vector_load %arg4[%get3A_155] {strides = array<i32>} : memref<10000xi32, #tpu.memory_space<vmem>>, vector<16xi32>,
      tpu.vector_store_idx %arg5[%get3A_156], %broadcast_in_dim3A_12 : memref<10240xf32, #tpu.memory_space<vmem>>[vector<16xi32>], vector<16xf32>,
      %mul3A_157 = arith.constant 400 : i32
      %mul3A_158 = arith.muli %scan3A_19, %mul3A_157 : i32
      %add3A_159 = arith.constant 368 : i32
      %add3A_160 = arith.addi %mul3A_158, %add3A_159 : i32
      %get3A_161 = arith.index_cast %add3A_160 : i32 to index
      %get3A_162 = tpu.vector_load %arg4[%get3A_161] {strides = array<i32>} : memref<10000xi32, #tpu.memory_space<vmem>>, vector<16xi32>,
      tpu.vector_store_idx %arg5[%get3A_162], %broadcast_in_dim3A_12 : memref<10240xf32, #tpu.memory_space<vmem>>[vector<16xi32>], vector<16xf32>,
      %mul3A_163 = arith.constant 400 : i32
      %mul3A_164 = arith.muli %scan3A_19, %mul3A_163 : i32
      %add3A_165 = arith.constant 384 : i32
      %add3A_166 = arith.addi %mul3A_164, %add3A_165 : i32
      %get3A_167 = arith.index_cast %add3A_166 : i32 to index
      %get3A_168 = tpu.vector_load %arg4[%get3A_167] {strides = array<i32>} : memref<10000xi32, #tpu.memory_space<vmem>>, vector<16xi32>,
      tpu.vector_store_idx %arg5[%get3A_168], %broadcast_in_dim3A_12 : memref<10240xf32, #tpu.memory_space<vmem>>[vector<16xi32>], vector<16xf32>,
    }
    %scan3A_18 = arith.constant 25 : i32
    "tpu.region"() ({
      %run_scoped3A = tpu.sem_alloc : memref<!tpu.dma_semaphore, #tpu.memory_space<semaphore_mem>>
      %dma_start3A_19 = arith.constant 0 : i32
      %dma_start3A_20 = tpu.memref_slice %arg3[%add3A, %dma_start3A_19] : memref<32x10240xf32, #tpu.memory_space<hbm>> -> memref<1x10240xf32, #tpu.memory_space<hbm>>
      %dma_start3A_21 = tpu.memref_squeeze %dma_start3A_20 : memref<1x10240xf32, #tpu.memory_space<hbm>> -> memref<10240xf32, #tpu.memory_space<hbm>>
      %dma_start3A_22 = arith.constant 0 : i32
      %dma_start3A_23 = tpu.memref_slice %arg3[%add3A, %dma_start3A_22] : memref<32x10240xf32, #tpu.memory_space<hbm>> -> memref<1x10240xf32, #tpu.memory_space<hbm>>
      %dma_start3A_24 = tpu.memref_squeeze %dma_start3A_23 : memref<1x10240xf32, #tpu.memory_space<hbm>> -> memref<10240xf32, #tpu.memory_space<hbm>>
      tpu.enqueue_dma source(%arg5 : memref<10240xf32, #tpu.memory_space<vmem>>) target(%dma_start3A_24 : memref<10240xf32, #tpu.memory_space<hbm>>) target_semaphore(%run_scoped3A : memref<!tpu.dma_semaphore, #tpu.memory_space<semaphore_mem>>)
      %dma_wait3A_25 = arith.constant 0 : i32
      %dma_wait3A_26 = tpu.memref_slice %arg3[%add3A, %dma_wait3A_25] : memref<32x10240xf32, #tpu.memory_space<hbm>> -> memref<1x10240xf32, #tpu.memory_space<hbm>>
      %dma_wait3A_27 = tpu.memref_squeeze %dma_wait3A_26 : memref<1x10240xf32, #tpu.memory_space<hbm>> -> memref<10240xf32, #tpu.memory_space<hbm>>
      %dma_wait3A_28 = arith.constant 0 : i32
      %dma_wait3A_29 = tpu.memref_slice %arg3[%add3A, %dma_wait3A_28] : memref<32x10240xf32, #tpu.memory_space<hbm>> -> memref<1x10240xf32, #tpu.memory_space<hbm>>
      %dma_wait3A_30 = tpu.memref_squeeze %dma_wait3A_29 : memref<1x10240xf32, #tpu.memory_space<hbm>> -> memref<10240xf32, #tpu.memory_space<hbm>>
      tpu.wait_dma2 semaphore(%run_scoped3A : memref<!tpu.dma_semaphore, #tpu.memory_space<semaphore_mem>>) src(%arg5 : memref<10240xf32, #tpu.memory_space<vmem>>) dst(%dma_wait3A_30 : memref<10240xf32, #tpu.memory_space<hbm>>)
      tpu.yield
    }) : () -> ()
    return
  }
}

module attributes {stable_mosaic.version = 14 : i64} {
  func.func @_mask_body(%arg0: i32, %arg1: memref<2048x128xf32, #tpu.memory_space<vmem>>, %arg2: memref<2560x128xf32, #tpu.memory_space<vmem>>, %arg3: memref<2048x128xf32, #tpu.memory_space<vmem>>) attributes {dimension_semantics = [#tpu.dimension_semantics<arbitrary>], iteration_bounds = array<i64: 5>, scalar_prefetch = 0 : i64, scratch_operands = 0 : i64, tpu.core_type = #tpu.core_type<tc>, window_params = [{transform_indices = @transform_0, window_bounds = array<i64: 2048, 128>}, {pipeline_mode = #tpu.pipeline_mode<synchronous>, transform_indices = @transform_1, window_bounds = array<i64: 2560, 128>}, {transform_indices = @transform_2, window_bounds = array<i64: 2048, 128>}]} {
    %broadcast_in_dim3A = arith.constant 0.000000e+00 : f32
    %broadcast_in_dim3A_0 = vector.broadcast %broadcast_in_dim3A : f32 to vector<16x128xf32>
    %mul3A = arith.constant 16 : i32
    %mul3A_1 = arith.muli %arg0, %mul3A : i32
    %add3A = arith.constant 0 : i32
    %add3A_2 = arith.addi %add3A, %mul3A_1 : i32
    %get3A = arith.index_cast %add3A_2 : i32 to index
    %get3A_3 = arith.constant 0 : index
    %get3A_4 = vector.load %arg2[%get3A, %get3A_3] : memref<2560x128xf32, #tpu.memory_space<vmem>>, vector<16x128xf32>
    %add3A_5 = arith.addf %broadcast_in_dim3A_0, %get3A_4 : vector<16x128xf32>
    %mul3A_6 = arith.constant 16 : i32
    %mul3A_7 = arith.muli %arg0, %mul3A_6 : i32
    %add3A_8 = arith.constant 80 : i32
    %add3A_9 = arith.addi %add3A_8, %mul3A_7 : i32
    %get3A_10 = arith.index_cast %add3A_9 : i32 to index
    %get3A_11 = arith.constant 0 : index
    %get3A_12 = vector.load %arg2[%get3A_10, %get3A_11] : memref<2560x128xf32, #tpu.memory_space<vmem>>, vector<16x128xf32>
    %add3A_13 = arith.addf %add3A_5, %get3A_12 : vector<16x128xf32>
    %mul3A_14 = arith.constant 16 : i32
    %mul3A_15 = arith.muli %arg0, %mul3A_14 : i32
    %add3A_16 = arith.constant 160 : i32
    %add3A_17 = arith.addi %add3A_16, %mul3A_15 : i32
    %get3A_18 = arith.index_cast %add3A_17 : i32 to index
    %get3A_19 = arith.constant 0 : index
    %get3A_20 = vector.load %arg2[%get3A_18, %get3A_19] : memref<2560x128xf32, #tpu.memory_space<vmem>>, vector<16x128xf32>
    %add3A_21 = arith.addf %add3A_13, %get3A_20 : vector<16x128xf32>
    %mul3A_22 = arith.constant 16 : i32
    %mul3A_23 = arith.muli %arg0, %mul3A_22 : i32
    %add3A_24 = arith.constant 240 : i32
    %add3A_25 = arith.addi %add3A_24, %mul3A_23 : i32
    %get3A_26 = arith.index_cast %add3A_25 : i32 to index
    %get3A_27 = arith.constant 0 : index
    %get3A_28 = vector.load %arg2[%get3A_26, %get3A_27] : memref<2560x128xf32, #tpu.memory_space<vmem>>, vector<16x128xf32>
    %add3A_29 = arith.addf %add3A_21, %get3A_28 : vector<16x128xf32>
    %mul3A_30 = arith.constant 16 : i32
    %mul3A_31 = arith.muli %arg0, %mul3A_30 : i32
    %add3A_32 = arith.constant 320 : i32
    %add3A_33 = arith.addi %add3A_32, %mul3A_31 : i32
    %get3A_34 = arith.index_cast %add3A_33 : i32 to index
    %get3A_35 = arith.constant 0 : index
    %get3A_36 = vector.load %arg2[%get3A_34, %get3A_35] : memref<2560x128xf32, #tpu.memory_space<vmem>>, vector<16x128xf32>
    %add3A_37 = arith.addf %add3A_29, %get3A_36 : vector<16x128xf32>
    %mul3A_38 = arith.constant 16 : i32
    %mul3A_39 = arith.muli %arg0, %mul3A_38 : i32
    %add3A_40 = arith.constant 400 : i32
    %add3A_41 = arith.addi %add3A_40, %mul3A_39 : i32
    %get3A_42 = arith.index_cast %add3A_41 : i32 to index
    %get3A_43 = arith.constant 0 : index
    %get3A_44 = vector.load %arg2[%get3A_42, %get3A_43] : memref<2560x128xf32, #tpu.memory_space<vmem>>, vector<16x128xf32>
    %add3A_45 = arith.addf %add3A_37, %get3A_44 : vector<16x128xf32>
    %mul3A_46 = arith.constant 16 : i32
    %mul3A_47 = arith.muli %arg0, %mul3A_46 : i32
    %add3A_48 = arith.constant 480 : i32
    %add3A_49 = arith.addi %add3A_48, %mul3A_47 : i32
    %get3A_50 = arith.index_cast %add3A_49 : i32 to index
    %get3A_51 = arith.constant 0 : index
    %get3A_52 = vector.load %arg2[%get3A_50, %get3A_51] : memref<2560x128xf32, #tpu.memory_space<vmem>>, vector<16x128xf32>
    %add3A_53 = arith.addf %add3A_45, %get3A_52 : vector<16x128xf32>
    %mul3A_54 = arith.constant 16 : i32
    %mul3A_55 = arith.muli %arg0, %mul3A_54 : i32
    %add3A_56 = arith.constant 560 : i32
    %add3A_57 = arith.addi %add3A_56, %mul3A_55 : i32
    %get3A_58 = arith.index_cast %add3A_57 : i32 to index
    %get3A_59 = arith.constant 0 : index
    %get3A_60 = vector.load %arg2[%get3A_58, %get3A_59] : memref<2560x128xf32, #tpu.memory_space<vmem>>, vector<16x128xf32>
    %add3A_61 = arith.addf %add3A_53, %get3A_60 : vector<16x128xf32>
    %mul3A_62 = arith.constant 16 : i32
    %mul3A_63 = arith.muli %arg0, %mul3A_62 : i32
    %add3A_64 = arith.constant 640 : i32
    %add3A_65 = arith.addi %add3A_64, %mul3A_63 : i32
    %get3A_66 = arith.index_cast %add3A_65 : i32 to index
    %get3A_67 = arith.constant 0 : index
    %get3A_68 = vector.load %arg2[%get3A_66, %get3A_67] : memref<2560x128xf32, #tpu.memory_space<vmem>>, vector<16x128xf32>
    %add3A_69 = arith.addf %add3A_61, %get3A_68 : vector<16x128xf32>
    %mul3A_70 = arith.constant 16 : i32
    %mul3A_71 = arith.muli %arg0, %mul3A_70 : i32
    %add3A_72 = arith.constant 720 : i32
    %add3A_73 = arith.addi %add3A_72, %mul3A_71 : i32
    %get3A_74 = arith.index_cast %add3A_73 : i32 to index
    %get3A_75 = arith.constant 0 : index
    %get3A_76 = vector.load %arg2[%get3A_74, %get3A_75] : memref<2560x128xf32, #tpu.memory_space<vmem>>, vector<16x128xf32>
    %add3A_77 = arith.addf %add3A_69, %get3A_76 : vector<16x128xf32>
    %mul3A_78 = arith.constant 16 : i32
    %mul3A_79 = arith.muli %arg0, %mul3A_78 : i32
    %add3A_80 = arith.constant 800 : i32
    %add3A_81 = arith.addi %add3A_80, %mul3A_79 : i32
    %get3A_82 = arith.index_cast %add3A_81 : i32 to index
    %get3A_83 = arith.constant 0 : index
    %get3A_84 = vector.load %arg2[%get3A_82, %get3A_83] : memref<2560x128xf32, #tpu.memory_space<vmem>>, vector<16x128xf32>
    %add3A_85 = arith.addf %add3A_77, %get3A_84 : vector<16x128xf32>
    %mul3A_86 = arith.constant 16 : i32
    %mul3A_87 = arith.muli %arg0, %mul3A_86 : i32
    %add3A_88 = arith.constant 880 : i32
    %add3A_89 = arith.addi %add3A_88, %mul3A_87 : i32
    %get3A_90 = arith.index_cast %add3A_89 : i32 to index
    %get3A_91 = arith.constant 0 : index
    %get3A_92 = vector.load %arg2[%get3A_90, %get3A_91] : memref<2560x128xf32, #tpu.memory_space<vmem>>, vector<16x128xf32>
    %add3A_93 = arith.addf %add3A_85, %get3A_92 : vector<16x128xf32>
    %mul3A_94 = arith.constant 16 : i32
    %mul3A_95 = arith.muli %arg0, %mul3A_94 : i32
    %add3A_96 = arith.constant 960 : i32
    %add3A_97 = arith.addi %add3A_96, %mul3A_95 : i32
    %get3A_98 = arith.index_cast %add3A_97 : i32 to index
    %get3A_99 = arith.constant 0 : index
    %get3A_100 = vector.load %arg2[%get3A_98, %get3A_99] : memref<2560x128xf32, #tpu.memory_space<vmem>>, vector<16x128xf32>
    %add3A_101 = arith.addf %add3A_93, %get3A_100 : vector<16x128xf32>
    %mul3A_102 = arith.constant 16 : i32
    %mul3A_103 = arith.muli %arg0, %mul3A_102 : i32
    %add3A_104 = arith.constant 1040 : i32
    %add3A_105 = arith.addi %add3A_104, %mul3A_103 : i32
    %get3A_106 = arith.index_cast %add3A_105 : i32 to index
    %get3A_107 = arith.constant 0 : index
    %get3A_108 = vector.load %arg2[%get3A_106, %get3A_107] : memref<2560x128xf32, #tpu.memory_space<vmem>>, vector<16x128xf32>
    %add3A_109 = arith.addf %add3A_101, %get3A_108 : vector<16x128xf32>
    %mul3A_110 = arith.constant 16 : i32
    %mul3A_111 = arith.muli %arg0, %mul3A_110 : i32
    %add3A_112 = arith.constant 1120 : i32
    %add3A_113 = arith.addi %add3A_112, %mul3A_111 : i32
    %get3A_114 = arith.index_cast %add3A_113 : i32 to index
    %get3A_115 = arith.constant 0 : index
    %get3A_116 = vector.load %arg2[%get3A_114, %get3A_115] : memref<2560x128xf32, #tpu.memory_space<vmem>>, vector<16x128xf32>
    %add3A_117 = arith.addf %add3A_109, %get3A_116 : vector<16x128xf32>
    %mul3A_118 = arith.constant 16 : i32
    %mul3A_119 = arith.muli %arg0, %mul3A_118 : i32
    %add3A_120 = arith.constant 1200 : i32
    %add3A_121 = arith.addi %add3A_120, %mul3A_119 : i32
    %get3A_122 = arith.index_cast %add3A_121 : i32 to index
    %get3A_123 = arith.constant 0 : index
    %get3A_124 = vector.load %arg2[%get3A_122, %get3A_123] : memref<2560x128xf32, #tpu.memory_space<vmem>>, vector<16x128xf32>
    %add3A_125 = arith.addf %add3A_117, %get3A_124 : vector<16x128xf32>
    %mul3A_126 = arith.constant 16 : i32
    %mul3A_127 = arith.muli %arg0, %mul3A_126 : i32
    %add3A_128 = arith.constant 1280 : i32
    %add3A_129 = arith.addi %add3A_128, %mul3A_127 : i32
    %get3A_130 = arith.index_cast %add3A_129 : i32 to index
    %get3A_131 = arith.constant 0 : index
    %get3A_132 = vector.load %arg2[%get3A_130, %get3A_131] : memref<2560x128xf32, #tpu.memory_space<vmem>>, vector<16x128xf32>
    %add3A_133 = arith.addf %add3A_125, %get3A_132 : vector<16x128xf32>
    %mul3A_134 = arith.constant 16 : i32
    %mul3A_135 = arith.muli %arg0, %mul3A_134 : i32
    %add3A_136 = arith.constant 1360 : i32
    %add3A_137 = arith.addi %add3A_136, %mul3A_135 : i32
    %get3A_138 = arith.index_cast %add3A_137 : i32 to index
    %get3A_139 = arith.constant 0 : index
    %get3A_140 = vector.load %arg2[%get3A_138, %get3A_139] : memref<2560x128xf32, #tpu.memory_space<vmem>>, vector<16x128xf32>
    %add3A_141 = arith.addf %add3A_133, %get3A_140 : vector<16x128xf32>
    %mul3A_142 = arith.constant 16 : i32
    %mul3A_143 = arith.muli %arg0, %mul3A_142 : i32
    %add3A_144 = arith.constant 1440 : i32
    %add3A_145 = arith.addi %add3A_144, %mul3A_143 : i32
    %get3A_146 = arith.index_cast %add3A_145 : i32 to index
    %get3A_147 = arith.constant 0 : index
    %get3A_148 = vector.load %arg2[%get3A_146, %get3A_147] : memref<2560x128xf32, #tpu.memory_space<vmem>>, vector<16x128xf32>
    %add3A_149 = arith.addf %add3A_141, %get3A_148 : vector<16x128xf32>
    %mul3A_150 = arith.constant 16 : i32
    %mul3A_151 = arith.muli %arg0, %mul3A_150 : i32
    %add3A_152 = arith.constant 1520 : i32
    %add3A_153 = arith.addi %add3A_152, %mul3A_151 : i32
    %get3A_154 = arith.index_cast %add3A_153 : i32 to index
    %get3A_155 = arith.constant 0 : index
    %get3A_156 = vector.load %arg2[%get3A_154, %get3A_155] : memref<2560x128xf32, #tpu.memory_space<vmem>>, vector<16x128xf32>
    %add3A_157 = arith.addf %add3A_149, %get3A_156 : vector<16x128xf32>
    %mul3A_158 = arith.constant 16 : i32
    %mul3A_159 = arith.muli %arg0, %mul3A_158 : i32
    %add3A_160 = arith.constant 1600 : i32
    %add3A_161 = arith.addi %add3A_160, %mul3A_159 : i32
    %get3A_162 = arith.index_cast %add3A_161 : i32 to index
    %get3A_163 = arith.constant 0 : index
    %get3A_164 = vector.load %arg2[%get3A_162, %get3A_163] : memref<2560x128xf32, #tpu.memory_space<vmem>>, vector<16x128xf32>
    %add3A_165 = arith.addf %add3A_157, %get3A_164 : vector<16x128xf32>
    %mul3A_166 = arith.constant 16 : i32
    %mul3A_167 = arith.muli %arg0, %mul3A_166 : i32
    %add3A_168 = arith.constant 1680 : i32
    %add3A_169 = arith.addi %add3A_168, %mul3A_167 : i32
    %get3A_170 = arith.index_cast %add3A_169 : i32 to index
    %get3A_171 = arith.constant 0 : index
    %get3A_172 = vector.load %arg2[%get3A_170, %get3A_171] : memref<2560x128xf32, #tpu.memory_space<vmem>>, vector<16x128xf32>
    %add3A_173 = arith.addf %add3A_165, %get3A_172 : vector<16x128xf32>
    %mul3A_174 = arith.constant 16 : i32
    %mul3A_175 = arith.muli %arg0, %mul3A_174 : i32
    %add3A_176 = arith.constant 1760 : i32
    %add3A_177 = arith.addi %add3A_176, %mul3A_175 : i32
    %get3A_178 = arith.index_cast %add3A_177 : i32 to index
    %get3A_179 = arith.constant 0 : index
    %get3A_180 = vector.load %arg2[%get3A_178, %get3A_179] : memref<2560x128xf32, #tpu.memory_space<vmem>>, vector<16x128xf32>
    %add3A_181 = arith.addf %add3A_173, %get3A_180 : vector<16x128xf32>
    %mul3A_182 = arith.constant 16 : i32
    %mul3A_183 = arith.muli %arg0, %mul3A_182 : i32
    %add3A_184 = arith.constant 1840 : i32
    %add3A_185 = arith.addi %add3A_184, %mul3A_183 : i32
    %get3A_186 = arith.index_cast %add3A_185 : i32 to index
    %get3A_187 = arith.constant 0 : index
    %get3A_188 = vector.load %arg2[%get3A_186, %get3A_187] : memref<2560x128xf32, #tpu.memory_space<vmem>>, vector<16x128xf32>
    %add3A_189 = arith.addf %add3A_181, %get3A_188 : vector<16x128xf32>
    %mul3A_190 = arith.constant 16 : i32
    %mul3A_191 = arith.muli %arg0, %mul3A_190 : i32
    %add3A_192 = arith.constant 1920 : i32
    %add3A_193 = arith.addi %add3A_192, %mul3A_191 : i32
    %get3A_194 = arith.index_cast %add3A_193 : i32 to index
    %get3A_195 = arith.constant 0 : index
    %get3A_196 = vector.load %arg2[%get3A_194, %get3A_195] : memref<2560x128xf32, #tpu.memory_space<vmem>>, vector<16x128xf32>
    %add3A_197 = arith.addf %add3A_189, %get3A_196 : vector<16x128xf32>
    %mul3A_198 = arith.constant 16 : i32
    %mul3A_199 = arith.muli %arg0, %mul3A_198 : i32
    %add3A_200 = arith.constant 2000 : i32
    %add3A_201 = arith.addi %add3A_200, %mul3A_199 : i32
    %get3A_202 = arith.index_cast %add3A_201 : i32 to index
    %get3A_203 = arith.constant 0 : index
    %get3A_204 = vector.load %arg2[%get3A_202, %get3A_203] : memref<2560x128xf32, #tpu.memory_space<vmem>>, vector<16x128xf32>
    %add3A_205 = arith.addf %add3A_197, %get3A_204 : vector<16x128xf32>
    %mul3A_206 = arith.constant 16 : i32
    %mul3A_207 = arith.muli %arg0, %mul3A_206 : i32
    %add3A_208 = arith.constant 2080 : i32
    %add3A_209 = arith.addi %add3A_208, %mul3A_207 : i32
    %get3A_210 = arith.index_cast %add3A_209 : i32 to index
    %get3A_211 = arith.constant 0 : index
    %get3A_212 = vector.load %arg2[%get3A_210, %get3A_211] : memref<2560x128xf32, #tpu.memory_space<vmem>>, vector<16x128xf32>
    %add3A_213 = arith.addf %add3A_205, %get3A_212 : vector<16x128xf32>
    %mul3A_214 = arith.constant 16 : i32
    %mul3A_215 = arith.muli %arg0, %mul3A_214 : i32
    %add3A_216 = arith.constant 2160 : i32
    %add3A_217 = arith.addi %add3A_216, %mul3A_215 : i32
    %get3A_218 = arith.index_cast %add3A_217 : i32 to index
    %get3A_219 = arith.constant 0 : index
    %get3A_220 = vector.load %arg2[%get3A_218, %get3A_219] : memref<2560x128xf32, #tpu.memory_space<vmem>>, vector<16x128xf32>
    %add3A_221 = arith.addf %add3A_213, %get3A_220 : vector<16x128xf32>
    %mul3A_222 = arith.constant 16 : i32
    %mul3A_223 = arith.muli %arg0, %mul3A_222 : i32
    %add3A_224 = arith.constant 2240 : i32
    %add3A_225 = arith.addi %add3A_224, %mul3A_223 : i32
    %get3A_226 = arith.index_cast %add3A_225 : i32 to index
    %get3A_227 = arith.constant 0 : index
    %get3A_228 = vector.load %arg2[%get3A_226, %get3A_227] : memref<2560x128xf32, #tpu.memory_space<vmem>>, vector<16x128xf32>
    %add3A_229 = arith.addf %add3A_221, %get3A_228 : vector<16x128xf32>
    %mul3A_230 = arith.constant 16 : i32
    %mul3A_231 = arith.muli %arg0, %mul3A_230 : i32
    %add3A_232 = arith.constant 2320 : i32
    %add3A_233 = arith.addi %add3A_232, %mul3A_231 : i32
    %get3A_234 = arith.index_cast %add3A_233 : i32 to index
    %get3A_235 = arith.constant 0 : index
    %get3A_236 = vector.load %arg2[%get3A_234, %get3A_235] : memref<2560x128xf32, #tpu.memory_space<vmem>>, vector<16x128xf32>
    %add3A_237 = arith.addf %add3A_229, %get3A_236 : vector<16x128xf32>
    %mul3A_238 = arith.constant 16 : i32
    %mul3A_239 = arith.muli %arg0, %mul3A_238 : i32
    %add3A_240 = arith.constant 2400 : i32
    %add3A_241 = arith.addi %add3A_240, %mul3A_239 : i32
    %get3A_242 = arith.index_cast %add3A_241 : i32 to index
    %get3A_243 = arith.constant 0 : index
    %get3A_244 = vector.load %arg2[%get3A_242, %get3A_243] : memref<2560x128xf32, #tpu.memory_space<vmem>>, vector<16x128xf32>
    %add3A_245 = arith.addf %add3A_237, %get3A_244 : vector<16x128xf32>
    %mul3A_246 = arith.constant 16 : i32
    %mul3A_247 = arith.muli %arg0, %mul3A_246 : i32
    %add3A_248 = arith.constant 2480 : i32
    %add3A_249 = arith.addi %add3A_248, %mul3A_247 : i32
    %get3A_250 = arith.index_cast %add3A_249 : i32 to index
    %get3A_251 = arith.constant 0 : index
    %get3A_252 = vector.load %arg2[%get3A_250, %get3A_251] : memref<2560x128xf32, #tpu.memory_space<vmem>>, vector<16x128xf32>
    %add3A_253 = arith.addf %add3A_245, %get3A_252 : vector<16x128xf32>
    %transpose3A = tpu.transpose %add3A_253, [1, 0] : vector<16x128xf32> -> vector<128x16xf32>
    %slice3A = vector.extract_strided_slice %transpose3A {offsets = [0, 0], sizes = [128, 1], strides = [1, 1]} : vector<128x16xf32> to vector<128x1xf32>
    %gt3A = arith.constant 0.000000e+00 : f32
    %gt3A_254 = vector.broadcast %gt3A : f32 to vector<128x1xf32>
    %gt3A_255 = arith.cmpf ogt, %slice3A, %gt3A_254 : vector<128x1xf32>
    %get3A_256 = arith.constant 0 : index
    %get3A_257 = arith.constant 0 : index
    %get3A_258 = vector.load %arg1[%get3A_256, %get3A_257] : memref<2048x128xf32, #tpu.memory_space<vmem>>, vector<128x128xf32>
    %jit3A = arith.constant 0.000000e+00 : f32
    %broadcast_in_dim3A_259 = vector.shape_cast %gt3A_255 : vector<128x1xi1> to vector<128x1xi1>
    %broadcast_in_dim3A_260 = vector.broadcast %broadcast_in_dim3A_259 : vector<128x1xi1> to vector<128x128xi1>
    %broadcast_in_dim3A_261 = vector.broadcast %jit3A : f32 to vector<128x128xf32>
    %select_n3A = arith.select %broadcast_in_dim3A_260, %get3A_258, %broadcast_in_dim3A_261 : vector<128x128xi1>, vector<128x128xf32>
    %swap3A = arith.constant 0 : index
    %swap3A_262 = arith.constant 0 : index
    %swap3A_263 = vector.load %arg3[%swap3A, %swap3A_262] : memref<2048x128xf32, #tpu.memory_space<vmem>>, vector<128x128xf32>
    tpu.vector_store %arg3[%swap3A, %swap3A_262], %select_n3A {strides = array<i32>} : memref<2048x128xf32, #tpu.memory_space<vmem>>, vector<128x128xf32>,
    %slice3A_264 = vector.extract_strided_slice %transpose3A {offsets = [0, 1], sizes = [128, 1], strides = [1, 1]} : vector<128x16xf32> to vector<128x1xf32>
    %gt3A_265 = arith.constant 0.000000e+00 : f32
    %gt3A_266 = vector.broadcast %gt3A_265 : f32 to vector<128x1xf32>
    %gt3A_267 = arith.cmpf ogt, %slice3A_264, %gt3A_266 : vector<128x1xf32>
    %get3A_268 = arith.constant 128 : index
    %get3A_269 = arith.constant 0 : index
    %get3A_270 = vector.load %arg1[%get3A_268, %get3A_269] : memref<2048x128xf32, #tpu.memory_space<vmem>>, vector<128x128xf32>
    %jit3A_271 = arith.constant 0.000000e+00 : f32
    %broadcast_in_dim3A_272 = vector.shape_cast %gt3A_267 : vector<128x1xi1> to vector<128x1xi1>
    %broadcast_in_dim3A_273 = vector.broadcast %broadcast_in_dim3A_272 : vector<128x1xi1> to vector<128x128xi1>
    %broadcast_in_dim3A_274 = vector.broadcast %jit3A_271 : f32 to vector<128x128xf32>
    %select_n3A_275 = arith.select %broadcast_in_dim3A_273, %get3A_270, %broadcast_in_dim3A_274 : vector<128x128xi1>, vector<128x128xf32>
    %swap3A_276 = arith.constant 128 : index
    %swap3A_277 = arith.constant 0 : index
    %swap3A_278 = vector.load %arg3[%swap3A_276, %swap3A_277] : memref<2048x128xf32, #tpu.memory_space<vmem>>, vector<128x128xf32>
    tpu.vector_store %arg3[%swap3A_276, %swap3A_277], %select_n3A_275 {strides = array<i32>} : memref<2048x128xf32, #tpu.memory_space<vmem>>, vector<128x128xf32>,
    %slice3A_279 = vector.extract_strided_slice %transpose3A {offsets = [0, 2], sizes = [128, 1], strides = [1, 1]} : vector<128x16xf32> to vector<128x1xf32>
    %gt3A_280 = arith.constant 0.000000e+00 : f32
    %gt3A_281 = vector.broadcast %gt3A_280 : f32 to vector<128x1xf32>
    %gt3A_282 = arith.cmpf ogt, %slice3A_279, %gt3A_281 : vector<128x1xf32>
    %get3A_283 = arith.constant 256 : index
    %get3A_284 = arith.constant 0 : index
    %get3A_285 = vector.load %arg1[%get3A_283, %get3A_284] : memref<2048x128xf32, #tpu.memory_space<vmem>>, vector<128x128xf32>
    %jit3A_286 = arith.constant 0.000000e+00 : f32
    %broadcast_in_dim3A_287 = vector.shape_cast %gt3A_282 : vector<128x1xi1> to vector<128x1xi1>
    %broadcast_in_dim3A_288 = vector.broadcast %broadcast_in_dim3A_287 : vector<128x1xi1> to vector<128x128xi1>
    %broadcast_in_dim3A_289 = vector.broadcast %jit3A_286 : f32 to vector<128x128xf32>
    %select_n3A_290 = arith.select %broadcast_in_dim3A_288, %get3A_285, %broadcast_in_dim3A_289 : vector<128x128xi1>, vector<128x128xf32>
    %swap3A_291 = arith.constant 256 : index
    %swap3A_292 = arith.constant 0 : index
    %swap3A_293 = vector.load %arg3[%swap3A_291, %swap3A_292] : memref<2048x128xf32, #tpu.memory_space<vmem>>, vector<128x128xf32>
    tpu.vector_store %arg3[%swap3A_291, %swap3A_292], %select_n3A_290 {strides = array<i32>} : memref<2048x128xf32, #tpu.memory_space<vmem>>, vector<128x128xf32>,
    %slice3A_294 = vector.extract_strided_slice %transpose3A {offsets = [0, 3], sizes = [128, 1], strides = [1, 1]} : vector<128x16xf32> to vector<128x1xf32>
    %gt3A_295 = arith.constant 0.000000e+00 : f32
    %gt3A_296 = vector.broadcast %gt3A_295 : f32 to vector<128x1xf32>
    %gt3A_297 = arith.cmpf ogt, %slice3A_294, %gt3A_296 : vector<128x1xf32>
    %get3A_298 = arith.constant 384 : index
    %get3A_299 = arith.constant 0 : index
    %get3A_300 = vector.load %arg1[%get3A_298, %get3A_299] : memref<2048x128xf32, #tpu.memory_space<vmem>>, vector<128x128xf32>
    %jit3A_301 = arith.constant 0.000000e+00 : f32
    %broadcast_in_dim3A_302 = vector.shape_cast %gt3A_297 : vector<128x1xi1> to vector<128x1xi1>
    %broadcast_in_dim3A_303 = vector.broadcast %broadcast_in_dim3A_302 : vector<128x1xi1> to vector<128x128xi1>
    %broadcast_in_dim3A_304 = vector.broadcast %jit3A_301 : f32 to vector<128x128xf32>
    %select_n3A_305 = arith.select %broadcast_in_dim3A_303, %get3A_300, %broadcast_in_dim3A_304 : vector<128x128xi1>, vector<128x128xf32>
    %swap3A_306 = arith.constant 384 : index
    %swap3A_307 = arith.constant 0 : index
    %swap3A_308 = vector.load %arg3[%swap3A_306, %swap3A_307] : memref<2048x128xf32, #tpu.memory_space<vmem>>, vector<128x128xf32>
    tpu.vector_store %arg3[%swap3A_306, %swap3A_307], %select_n3A_305 {strides = array<i32>} : memref<2048x128xf32, #tpu.memory_space<vmem>>, vector<128x128xf32>,
    %slice3A_309 = vector.extract_strided_slice %transpose3A {offsets = [0, 4], sizes = [128, 1], strides = [1, 1]} : vector<128x16xf32> to vector<128x1xf32>
    %gt3A_310 = arith.constant 0.000000e+00 : f32
    %gt3A_311 = vector.broadcast %gt3A_310 : f32 to vector<128x1xf32>
    %gt3A_312 = arith.cmpf ogt, %slice3A_309, %gt3A_311 : vector<128x1xf32>
    %get3A_313 = arith.constant 512 : index
    %get3A_314 = arith.constant 0 : index
    %get3A_315 = vector.load %arg1[%get3A_313, %get3A_314] : memref<2048x128xf32, #tpu.memory_space<vmem>>, vector<128x128xf32>
    %jit3A_316 = arith.constant 0.000000e+00 : f32
    %broadcast_in_dim3A_317 = vector.shape_cast %gt3A_312 : vector<128x1xi1> to vector<128x1xi1>
    %broadcast_in_dim3A_318 = vector.broadcast %broadcast_in_dim3A_317 : vector<128x1xi1> to vector<128x128xi1>
    %broadcast_in_dim3A_319 = vector.broadcast %jit3A_316 : f32 to vector<128x128xf32>
    %select_n3A_320 = arith.select %broadcast_in_dim3A_318, %get3A_315, %broadcast_in_dim3A_319 : vector<128x128xi1>, vector<128x128xf32>
    %swap3A_321 = arith.constant 512 : index
    %swap3A_322 = arith.constant 0 : index
    %swap3A_323 = vector.load %arg3[%swap3A_321, %swap3A_322] : memref<2048x128xf32, #tpu.memory_space<vmem>>, vector<128x128xf32>
    tpu.vector_store %arg3[%swap3A_321, %swap3A_322], %select_n3A_320 {strides = array<i32>} : memref<2048x128xf32, #tpu.memory_space<vmem>>, vector<128x128xf32>,
    %slice3A_324 = vector.extract_strided_slice %transpose3A {offsets = [0, 5], sizes = [128, 1], strides = [1, 1]} : vector<128x16xf32> to vector<128x1xf32>
    %gt3A_325 = arith.constant 0.000000e+00 : f32
    %gt3A_326 = vector.broadcast %gt3A_325 : f32 to vector<128x1xf32>
    %gt3A_327 = arith.cmpf ogt, %slice3A_324, %gt3A_326 : vector<128x1xf32>
    %get3A_328 = arith.constant 640 : index
    %get3A_329 = arith.constant 0 : index
    %get3A_330 = vector.load %arg1[%get3A_328, %get3A_329] : memref<2048x128xf32, #tpu.memory_space<vmem>>, vector<128x128xf32>
    %jit3A_331 = arith.constant 0.000000e+00 : f32
    %broadcast_in_dim3A_332 = vector.shape_cast %gt3A_327 : vector<128x1xi1> to vector<128x1xi1>
    %broadcast_in_dim3A_333 = vector.broadcast %broadcast_in_dim3A_332 : vector<128x1xi1> to vector<128x128xi1>
    %broadcast_in_dim3A_334 = vector.broadcast %jit3A_331 : f32 to vector<128x128xf32>
    %select_n3A_335 = arith.select %broadcast_in_dim3A_333, %get3A_330, %broadcast_in_dim3A_334 : vector<128x128xi1>, vector<128x128xf32>
    %swap3A_336 = arith.constant 640 : index
    %swap3A_337 = arith.constant 0 : index
    %swap3A_338 = vector.load %arg3[%swap3A_336, %swap3A_337] : memref<2048x128xf32, #tpu.memory_space<vmem>>, vector<128x128xf32>
    tpu.vector_store %arg3[%swap3A_336, %swap3A_337], %select_n3A_335 {strides = array<i32>} : memref<2048x128xf32, #tpu.memory_space<vmem>>, vector<128x128xf32>,
    %slice3A_339 = vector.extract_strided_slice %transpose3A {offsets = [0, 6], sizes = [128, 1], strides = [1, 1]} : vector<128x16xf32> to vector<128x1xf32>
    %gt3A_340 = arith.constant 0.000000e+00 : f32
    %gt3A_341 = vector.broadcast %gt3A_340 : f32 to vector<128x1xf32>
    %gt3A_342 = arith.cmpf ogt, %slice3A_339, %gt3A_341 : vector<128x1xf32>
    %get3A_343 = arith.constant 768 : index
    %get3A_344 = arith.constant 0 : index
    %get3A_345 = vector.load %arg1[%get3A_343, %get3A_344] : memref<2048x128xf32, #tpu.memory_space<vmem>>, vector<128x128xf32>
    %jit3A_346 = arith.constant 0.000000e+00 : f32
    %broadcast_in_dim3A_347 = vector.shape_cast %gt3A_342 : vector<128x1xi1> to vector<128x1xi1>
    %broadcast_in_dim3A_348 = vector.broadcast %broadcast_in_dim3A_347 : vector<128x1xi1> to vector<128x128xi1>
    %broadcast_in_dim3A_349 = vector.broadcast %jit3A_346 : f32 to vector<128x128xf32>
    %select_n3A_350 = arith.select %broadcast_in_dim3A_348, %get3A_345, %broadcast_in_dim3A_349 : vector<128x128xi1>, vector<128x128xf32>
    %swap3A_351 = arith.constant 768 : index
    %swap3A_352 = arith.constant 0 : index
    %swap3A_353 = vector.load %arg3[%swap3A_351, %swap3A_352] : memref<2048x128xf32, #tpu.memory_space<vmem>>, vector<128x128xf32>
    tpu.vector_store %arg3[%swap3A_351, %swap3A_352], %select_n3A_350 {strides = array<i32>} : memref<2048x128xf32, #tpu.memory_space<vmem>>, vector<128x128xf32>,
    %slice3A_354 = vector.extract_strided_slice %transpose3A {offsets = [0, 7], sizes = [128, 1], strides = [1, 1]} : vector<128x16xf32> to vector<128x1xf32>
    %gt3A_355 = arith.constant 0.000000e+00 : f32
    %gt3A_356 = vector.broadcast %gt3A_355 : f32 to vector<128x1xf32>
    %gt3A_357 = arith.cmpf ogt, %slice3A_354, %gt3A_356 : vector<128x1xf32>
    %get3A_358 = arith.constant 896 : index
    %get3A_359 = arith.constant 0 : index
    %get3A_360 = vector.load %arg1[%get3A_358, %get3A_359] : memref<2048x128xf32, #tpu.memory_space<vmem>>, vector<128x128xf32>
    %jit3A_361 = arith.constant 0.000000e+00 : f32
    %broadcast_in_dim3A_362 = vector.shape_cast %gt3A_357 : vector<128x1xi1> to vector<128x1xi1>
    %broadcast_in_dim3A_363 = vector.broadcast %broadcast_in_dim3A_362 : vector<128x1xi1> to vector<128x128xi1>
    %broadcast_in_dim3A_364 = vector.broadcast %jit3A_361 : f32 to vector<128x128xf32>
    %select_n3A_365 = arith.select %broadcast_in_dim3A_363, %get3A_360, %broadcast_in_dim3A_364 : vector<128x128xi1>, vector<128x128xf32>
    %swap3A_366 = arith.constant 896 : index
    %swap3A_367 = arith.constant 0 : index
    %swap3A_368 = vector.load %arg3[%swap3A_366, %swap3A_367] : memref<2048x128xf32, #tpu.memory_space<vmem>>, vector<128x128xf32>
    tpu.vector_store %arg3[%swap3A_366, %swap3A_367], %select_n3A_365 {strides = array<i32>} : memref<2048x128xf32, #tpu.memory_space<vmem>>, vector<128x128xf32>,
    %slice3A_369 = vector.extract_strided_slice %transpose3A {offsets = [0, 8], sizes = [128, 1], strides = [1, 1]} : vector<128x16xf32> to vector<128x1xf32>
    %gt3A_370 = arith.constant 0.000000e+00 : f32
    %gt3A_371 = vector.broadcast %gt3A_370 : f32 to vector<128x1xf32>
    %gt3A_372 = arith.cmpf ogt, %slice3A_369, %gt3A_371 : vector<128x1xf32>
    %get3A_373 = arith.constant 1024 : index
    %get3A_374 = arith.constant 0 : index
    %get3A_375 = vector.load %arg1[%get3A_373, %get3A_374] : memref<2048x128xf32, #tpu.memory_space<vmem>>, vector<128x128xf32>
    %jit3A_376 = arith.constant 0.000000e+00 : f32
    %broadcast_in_dim3A_377 = vector.shape_cast %gt3A_372 : vector<128x1xi1> to vector<128x1xi1>
    %broadcast_in_dim3A_378 = vector.broadcast %broadcast_in_dim3A_377 : vector<128x1xi1> to vector<128x128xi1>
    %broadcast_in_dim3A_379 = vector.broadcast %jit3A_376 : f32 to vector<128x128xf32>
    %select_n3A_380 = arith.select %broadcast_in_dim3A_378, %get3A_375, %broadcast_in_dim3A_379 : vector<128x128xi1>, vector<128x128xf32>
    %swap3A_381 = arith.constant 1024 : index
    %swap3A_382 = arith.constant 0 : index
    %swap3A_383 = vector.load %arg3[%swap3A_381, %swap3A_382] : memref<2048x128xf32, #tpu.memory_space<vmem>>, vector<128x128xf32>
    tpu.vector_store %arg3[%swap3A_381, %swap3A_382], %select_n3A_380 {strides = array<i32>} : memref<2048x128xf32, #tpu.memory_space<vmem>>, vector<128x128xf32>,
    %slice3A_384 = vector.extract_strided_slice %transpose3A {offsets = [0, 9], sizes = [128, 1], strides = [1, 1]} : vector<128x16xf32> to vector<128x1xf32>
    %gt3A_385 = arith.constant 0.000000e+00 : f32
    %gt3A_386 = vector.broadcast %gt3A_385 : f32 to vector<128x1xf32>
    %gt3A_387 = arith.cmpf ogt, %slice3A_384, %gt3A_386 : vector<128x1xf32>
    %get3A_388 = arith.constant 1152 : index
    %get3A_389 = arith.constant 0 : index
    %get3A_390 = vector.load %arg1[%get3A_388, %get3A_389] : memref<2048x128xf32, #tpu.memory_space<vmem>>, vector<128x128xf32>
    %jit3A_391 = arith.constant 0.000000e+00 : f32
    %broadcast_in_dim3A_392 = vector.shape_cast %gt3A_387 : vector<128x1xi1> to vector<128x1xi1>
    %broadcast_in_dim3A_393 = vector.broadcast %broadcast_in_dim3A_392 : vector<128x1xi1> to vector<128x128xi1>
    %broadcast_in_dim3A_394 = vector.broadcast %jit3A_391 : f32 to vector<128x128xf32>
    %select_n3A_395 = arith.select %broadcast_in_dim3A_393, %get3A_390, %broadcast_in_dim3A_394 : vector<128x128xi1>, vector<128x128xf32>
    %swap3A_396 = arith.constant 1152 : index
    %swap3A_397 = arith.constant 0 : index
    %swap3A_398 = vector.load %arg3[%swap3A_396, %swap3A_397] : memref<2048x128xf32, #tpu.memory_space<vmem>>, vector<128x128xf32>
    tpu.vector_store %arg3[%swap3A_396, %swap3A_397], %select_n3A_395 {strides = array<i32>} : memref<2048x128xf32, #tpu.memory_space<vmem>>, vector<128x128xf32>,
    %slice3A_399 = vector.extract_strided_slice %transpose3A {offsets = [0, 10], sizes = [128, 1], strides = [1, 1]} : vector<128x16xf32> to vector<128x1xf32>
    %gt3A_400 = arith.constant 0.000000e+00 : f32
    %gt3A_401 = vector.broadcast %gt3A_400 : f32 to vector<128x1xf32>
    %gt3A_402 = arith.cmpf ogt, %slice3A_399, %gt3A_401 : vector<128x1xf32>
    %get3A_403 = arith.constant 1280 : index
    %get3A_404 = arith.constant 0 : index
    %get3A_405 = vector.load %arg1[%get3A_403, %get3A_404] : memref<2048x128xf32, #tpu.memory_space<vmem>>, vector<128x128xf32>
    %jit3A_406 = arith.constant 0.000000e+00 : f32
    %broadcast_in_dim3A_407 = vector.shape_cast %gt3A_402 : vector<128x1xi1> to vector<128x1xi1>
    %broadcast_in_dim3A_408 = vector.broadcast %broadcast_in_dim3A_407 : vector<128x1xi1> to vector<128x128xi1>
    %broadcast_in_dim3A_409 = vector.broadcast %jit3A_406 : f32 to vector<128x128xf32>
    %select_n3A_410 = arith.select %broadcast_in_dim3A_408, %get3A_405, %broadcast_in_dim3A_409 : vector<128x128xi1>, vector<128x128xf32>
    %swap3A_411 = arith.constant 1280 : index
    %swap3A_412 = arith.constant 0 : index
    %swap3A_413 = vector.load %arg3[%swap3A_411, %swap3A_412] : memref<2048x128xf32, #tpu.memory_space<vmem>>, vector<128x128xf32>
    tpu.vector_store %arg3[%swap3A_411, %swap3A_412], %select_n3A_410 {strides = array<i32>} : memref<2048x128xf32, #tpu.memory_space<vmem>>, vector<128x128xf32>,
    %slice3A_414 = vector.extract_strided_slice %transpose3A {offsets = [0, 11], sizes = [128, 1], strides = [1, 1]} : vector<128x16xf32> to vector<128x1xf32>
    %gt3A_415 = arith.constant 0.000000e+00 : f32
    %gt3A_416 = vector.broadcast %gt3A_415 : f32 to vector<128x1xf32>
    %gt3A_417 = arith.cmpf ogt, %slice3A_414, %gt3A_416 : vector<128x1xf32>
    %get3A_418 = arith.constant 1408 : index
    %get3A_419 = arith.constant 0 : index
    %get3A_420 = vector.load %arg1[%get3A_418, %get3A_419] : memref<2048x128xf32, #tpu.memory_space<vmem>>, vector<128x128xf32>
    %jit3A_421 = arith.constant 0.000000e+00 : f32
    %broadcast_in_dim3A_422 = vector.shape_cast %gt3A_417 : vector<128x1xi1> to vector<128x1xi1>
    %broadcast_in_dim3A_423 = vector.broadcast %broadcast_in_dim3A_422 : vector<128x1xi1> to vector<128x128xi1>
    %broadcast_in_dim3A_424 = vector.broadcast %jit3A_421 : f32 to vector<128x128xf32>
    %select_n3A_425 = arith.select %broadcast_in_dim3A_423, %get3A_420, %broadcast_in_dim3A_424 : vector<128x128xi1>, vector<128x128xf32>
    %swap3A_426 = arith.constant 1408 : index
    %swap3A_427 = arith.constant 0 : index
    %swap3A_428 = vector.load %arg3[%swap3A_426, %swap3A_427] : memref<2048x128xf32, #tpu.memory_space<vmem>>, vector<128x128xf32>
    tpu.vector_store %arg3[%swap3A_426, %swap3A_427], %select_n3A_425 {strides = array<i32>} : memref<2048x128xf32, #tpu.memory_space<vmem>>, vector<128x128xf32>,
    %slice3A_429 = vector.extract_strided_slice %transpose3A {offsets = [0, 12], sizes = [128, 1], strides = [1, 1]} : vector<128x16xf32> to vector<128x1xf32>
    %gt3A_430 = arith.constant 0.000000e+00 : f32
    %gt3A_431 = vector.broadcast %gt3A_430 : f32 to vector<128x1xf32>
    %gt3A_432 = arith.cmpf ogt, %slice3A_429, %gt3A_431 : vector<128x1xf32>
    %get3A_433 = arith.constant 1536 : index
    %get3A_434 = arith.constant 0 : index
    %get3A_435 = vector.load %arg1[%get3A_433, %get3A_434] : memref<2048x128xf32, #tpu.memory_space<vmem>>, vector<128x128xf32>
    %jit3A_436 = arith.constant 0.000000e+00 : f32
    %broadcast_in_dim3A_437 = vector.shape_cast %gt3A_432 : vector<128x1xi1> to vector<128x1xi1>
    %broadcast_in_dim3A_438 = vector.broadcast %broadcast_in_dim3A_437 : vector<128x1xi1> to vector<128x128xi1>
    %broadcast_in_dim3A_439 = vector.broadcast %jit3A_436 : f32 to vector<128x128xf32>
    %select_n3A_440 = arith.select %broadcast_in_dim3A_438, %get3A_435, %broadcast_in_dim3A_439 : vector<128x128xi1>, vector<128x128xf32>
    %swap3A_441 = arith.constant 1536 : index
    %swap3A_442 = arith.constant 0 : index
    %swap3A_443 = vector.load %arg3[%swap3A_441, %swap3A_442] : memref<2048x128xf32, #tpu.memory_space<vmem>>, vector<128x128xf32>
    tpu.vector_store %arg3[%swap3A_441, %swap3A_442], %select_n3A_440 {strides = array<i32>} : memref<2048x128xf32, #tpu.memory_space<vmem>>, vector<128x128xf32>,
    %slice3A_444 = vector.extract_strided_slice %transpose3A {offsets = [0, 13], sizes = [128, 1], strides = [1, 1]} : vector<128x16xf32> to vector<128x1xf32>
    %gt3A_445 = arith.constant 0.000000e+00 : f32
    %gt3A_446 = vector.broadcast %gt3A_445 : f32 to vector<128x1xf32>
    %gt3A_447 = arith.cmpf ogt, %slice3A_444, %gt3A_446 : vector<128x1xf32>
    %get3A_448 = arith.constant 1664 : index
    %get3A_449 = arith.constant 0 : index
    %get3A_450 = vector.load %arg1[%get3A_448, %get3A_449] : memref<2048x128xf32, #tpu.memory_space<vmem>>, vector<128x128xf32>
    %jit3A_451 = arith.constant 0.000000e+00 : f32
    %broadcast_in_dim3A_452 = vector.shape_cast %gt3A_447 : vector<128x1xi1> to vector<128x1xi1>
    %broadcast_in_dim3A_453 = vector.broadcast %broadcast_in_dim3A_452 : vector<128x1xi1> to vector<128x128xi1>
    %broadcast_in_dim3A_454 = vector.broadcast %jit3A_451 : f32 to vector<128x128xf32>
    %select_n3A_455 = arith.select %broadcast_in_dim3A_453, %get3A_450, %broadcast_in_dim3A_454 : vector<128x128xi1>, vector<128x128xf32>
    %swap3A_456 = arith.constant 1664 : index
    %swap3A_457 = arith.constant 0 : index
    %swap3A_458 = vector.load %arg3[%swap3A_456, %swap3A_457] : memref<2048x128xf32, #tpu.memory_space<vmem>>, vector<128x128xf32>
    tpu.vector_store %arg3[%swap3A_456, %swap3A_457], %select_n3A_455 {strides = array<i32>} : memref<2048x128xf32, #tpu.memory_space<vmem>>, vector<128x128xf32>,
    %slice3A_459 = vector.extract_strided_slice %transpose3A {offsets = [0, 14], sizes = [128, 1], strides = [1, 1]} : vector<128x16xf32> to vector<128x1xf32>
    %gt3A_460 = arith.constant 0.000000e+00 : f32
    %gt3A_461 = vector.broadcast %gt3A_460 : f32 to vector<128x1xf32>
    %gt3A_462 = arith.cmpf ogt, %slice3A_459, %gt3A_461 : vector<128x1xf32>
    %get3A_463 = arith.constant 1792 : index
    %get3A_464 = arith.constant 0 : index
    %get3A_465 = vector.load %arg1[%get3A_463, %get3A_464] : memref<2048x128xf32, #tpu.memory_space<vmem>>, vector<128x128xf32>
    %jit3A_466 = arith.constant 0.000000e+00 : f32
    %broadcast_in_dim3A_467 = vector.shape_cast %gt3A_462 : vector<128x1xi1> to vector<128x1xi1>
    %broadcast_in_dim3A_468 = vector.broadcast %broadcast_in_dim3A_467 : vector<128x1xi1> to vector<128x128xi1>
    %broadcast_in_dim3A_469 = vector.broadcast %jit3A_466 : f32 to vector<128x128xf32>
    %select_n3A_470 = arith.select %broadcast_in_dim3A_468, %get3A_465, %broadcast_in_dim3A_469 : vector<128x128xi1>, vector<128x128xf32>
    %swap3A_471 = arith.constant 1792 : index
    %swap3A_472 = arith.constant 0 : index
    %swap3A_473 = vector.load %arg3[%swap3A_471, %swap3A_472] : memref<2048x128xf32, #tpu.memory_space<vmem>>, vector<128x128xf32>
    tpu.vector_store %arg3[%swap3A_471, %swap3A_472], %select_n3A_470 {strides = array<i32>} : memref<2048x128xf32, #tpu.memory_space<vmem>>, vector<128x128xf32>,
    %slice3A_474 = vector.extract_strided_slice %transpose3A {offsets = [0, 15], sizes = [128, 1], strides = [1, 1]} : vector<128x16xf32> to vector<128x1xf32>
    %gt3A_475 = arith.constant 0.000000e+00 : f32
    %gt3A_476 = vector.broadcast %gt3A_475 : f32 to vector<128x1xf32>
    %gt3A_477 = arith.cmpf ogt, %slice3A_474, %gt3A_476 : vector<128x1xf32>
    %get3A_478 = arith.constant 1920 : index
    %get3A_479 = arith.constant 0 : index
    %get3A_480 = vector.load %arg1[%get3A_478, %get3A_479] : memref<2048x128xf32, #tpu.memory_space<vmem>>, vector<128x128xf32>
    %jit3A_481 = arith.constant 0.000000e+00 : f32
    %broadcast_in_dim3A_482 = vector.shape_cast %gt3A_477 : vector<128x1xi1> to vector<128x1xi1>
    %broadcast_in_dim3A_483 = vector.broadcast %broadcast_in_dim3A_482 : vector<128x1xi1> to vector<128x128xi1>
    %broadcast_in_dim3A_484 = vector.broadcast %jit3A_481 : f32 to vector<128x128xf32>
    %select_n3A_485 = arith.select %broadcast_in_dim3A_483, %get3A_480, %broadcast_in_dim3A_484 : vector<128x128xi1>, vector<128x128xf32>
    %swap3A_486 = arith.constant 1920 : index
    %swap3A_487 = arith.constant 0 : index
    %swap3A_488 = vector.load %arg3[%swap3A_486, %swap3A_487] : memref<2048x128xf32, #tpu.memory_space<vmem>>, vector<128x128xf32>
    tpu.vector_store %arg3[%swap3A_486, %swap3A_487], %select_n3A_485 {strides = array<i32>} : memref<2048x128xf32, #tpu.memory_space<vmem>>, vector<128x128xf32>,
    return
  }
  func.func @transform_0(%arg0: i32) -> (i32, i32) {
    %c0_i32 = arith.constant 0 : i32
    %c0_i32_0 = arith.constant 0 : i32
    return %arg0, %c0_i32 : i32, i32
  }
  func.func @transform_1(%arg0: i32) -> (i32, i32) {
    %c0_i32 = arith.constant 0 : i32
    %c0_i32_0 = arith.constant 0 : i32
    %c0_i32_1 = arith.constant 0 : i32
    return %c0_i32, %c0_i32_0 : i32, i32
  }
  func.func @transform_2(%arg0: i32) -> (i32, i32) {
    %c0_i32 = arith.constant 0 : i32
    %c0_i32_0 = arith.constant 0 : i32
    return %arg0, %c0_i32 : i32, i32
  }
}

module attributes {stable_mosaic.version = 14 : i64} {
  func.func @_project_body(%arg0: i32, %arg1: memref<2000x128xf32, #tpu.memory_space<vmem>>, %arg2: memref<128x128xf32, #tpu.memory_space<vmem>>, %arg3: memref<1x128xf32, #tpu.memory_space<vmem>>, %arg4: memref<2000x128xf32, #tpu.memory_space<vmem>>) attributes {dimension_semantics = [#tpu.dimension_semantics<arbitrary>], iteration_bounds = array<i64: 5>, scalar_prefetch = 0 : i64, scratch_operands = 0 : i64, tpu.core_type = #tpu.core_type<tc>, window_params = [{transform_indices = @transform_0, window_bounds = array<i64: 2000, 128>}, {pipeline_mode = #tpu.pipeline_mode<synchronous>, transform_indices = @transform_1, window_bounds = array<i64: 128, 128>}, {pipeline_mode = #tpu.pipeline_mode<synchronous>, transform_indices = @transform_2, window_bounds = array<i64: 1, 128>}, {transform_indices = @transform_3, window_bounds = array<i64: 2000, 128>}]} {
    %get3A = arith.constant 0 : index
    %get3A_0 = arith.constant 0 : index
    %get3A_1 = vector.load %arg1[%get3A, %get3A_0] : memref<2000x128xf32, #tpu.memory_space<vmem>>, vector<2000x128xf32>
    %mul3A = arith.mulf %get3A_1, %get3A_1 : vector<2000x128xf32>
    %reduce_sum3A = arith.constant dense<0.000000e+00> : vector<2000xf32>
    %reduce_sum3A_2 = vector.multi_reduction <add>, %mul3A, %reduce_sum3A [1] : vector<2000x128xf32> to vector<2000xf32>
    %broadcast_in_dim3A = vector.shape_cast %reduce_sum3A_2 : vector<2000xf32> to vector<2000x1xf32>
    %sqrt3A = math.sqrt %broadcast_in_dim3A : vector<2000x1xf32>
    %gt3A = arith.constant 1.000000e+00 : f32
    %gt3A_3 = vector.broadcast %gt3A : f32 to vector<2000x1xf32>
    %gt3A_4 = arith.cmpf ogt, %sqrt3A, %gt3A_3 : vector<2000x1xf32>
    %add3A = arith.constant 1.000000e-07 : f32
    %add3A_5 = vector.broadcast %add3A : f32 to vector<2000x1xf32>
    %add3A_6 = arith.addf %sqrt3A, %add3A_5 : vector<2000x1xf32>
    %div3A = arith.constant 1.000000e+00 : f32
    %div3A_7 = vector.broadcast %div3A : f32 to vector<2000x1xf32>
    %div3A_8 = arith.divf %div3A_7, %add3A_6 : vector<2000x1xf32>
    %jit3A = arith.constant 1.000000e+00 : f32
    %broadcast_in_dim3A_9 = vector.broadcast %jit3A : f32 to vector<2000x1xf32>
    %select_n3A = arith.select %gt3A_4, %div3A_8, %broadcast_in_dim3A_9 : vector<2000x1xi1>, vector<2000x1xf32>
    %mul3A_10 = vector.broadcast %select_n3A : vector<2000x1xf32> to vector<2000x128xf32>
    %mul3A_11 = arith.mulf %get3A_1, %mul3A_10 : vector<2000x128xf32>
    %get3A_12 = arith.constant 0 : index
    %get3A_13 = arith.constant 0 : index
    %get3A_14 = vector.load %arg2[%get3A_12, %get3A_13] : memref<128x128xf32, #tpu.memory_space<vmem>>, vector<128x128xf32>
    %dot_general3A = arith.constant dense<0.000000e+00> : vector<2000x128xf32>
    %dot_general3A_15 = tpu.matmul %mul3A_11, %get3A_14, %dot_general3A {dimension_numbers = #tpu.dot_dimension_numbers<[1], [1], [0], [0], [0, 0, 1, 0], [], []>, transpose_lhs_hint = false} : vector<2000x128xf32>, vector<128x128xf32>, vector<2000x128xf32> -> vector<2000x128xf32>
    %get3A_16 = arith.constant 0 : index
    %get3A_17 = arith.constant 0 : index
    %get3A_18 = vector.load %arg3[%get3A_16, %get3A_17] : memref<1x128xf32, #tpu.memory_space<vmem>>, vector<1x128xf32>
    %add3A_19 = vector.broadcast %get3A_18 : vector<1x128xf32> to vector<2000x128xf32>
    %add3A_20 = arith.addf %dot_general3A_15, %add3A_19 : vector<2000x128xf32>
    %max3A = arith.constant 0.000000e+00 : f32
    %max3A_21 = vector.broadcast %max3A : f32 to vector<2000x128xf32>
    %max3A_22 = arith.maximumf %add3A_20, %max3A_21 : vector<2000x128xf32>
    %swap3A = arith.constant 0 : index
    %swap3A_23 = arith.constant 0 : index
    %swap3A_24 = vector.load %arg4[%swap3A, %swap3A_23] : memref<2000x128xf32, #tpu.memory_space<vmem>>, vector<2000x128xf32>
    tpu.vector_store %arg4[%swap3A, %swap3A_23], %max3A_22 {strides = array<i32>} : memref<2000x128xf32, #tpu.memory_space<vmem>>, vector<2000x128xf32>,
    return
  }
  func.func @transform_0(%arg0: i32) -> (i32, i32) {
    %c0_i32 = arith.constant 0 : i32
    %c0_i32_0 = arith.constant 0 : i32
    return %arg0, %c0_i32 : i32, i32
  }
  func.func @transform_1(%arg0: i32) -> (i32, i32) {
    %c0_i32 = arith.constant 0 : i32
    %c0_i32_0 = arith.constant 0 : i32
    %c0_i32_1 = arith.constant 0 : i32
    return %c0_i32, %c0_i32_0 : i32, i32
  }
  func.func @transform_2(%arg0: i32) -> (i32, i32) {
    %c0_i32 = arith.constant 0 : i32
    %c0_i32_0 = arith.constant 0 : i32
    %c0_i32_1 = arith.constant 0 : i32
    return %c0_i32, %c0_i32_0 : i32, i32
  }
  func.func @transform_3(%arg0: i32) -> (i32, i32) {
    %c0_i32 = arith.constant 0 : i32
    %c0_i32_0 = arith.constant 0 : i32
    return %arg0, %c0_i32 : i32, i32
  }
}

</mosaic_0001>

<sc_bundles>
// kernel: kernel.5.cloned.1.call-start
scs
__scs_entry_jumppad:
0x0: {  	(pc) =	sbr.rel $0x88, $3  }
0x1: {  	(tag) =	ssettag $0x0;
	lr =	simm.s32 $0x1  }
0x2: {  	[smem:$0x3F9D] =	sst lr;
	_ =	strace $0xD0000000  }
0x3: {  	_ = 	snop  }
0x4: {  	_ = 	snop  }
0x5: {  	_ = 	snop  }
0x6: {  	_ = 	snop  }
0x7: {  	_ = 	snop  }
__scs_overlays_trampoline_lowered:
0x8: {  	[smem:$0x3FAC] =	sst s0  }
0x9: {  	[smem:$0x3FAD] =	sst s1  }
0xa: {  	[smem:$0x3FAE] =	sst s2  }
0xb: {  	[smem:$0x3FAF] =	sst s3  }
0xc: {  	[smem:$0x3FB0] =	sst s4  }
0xd: {  	[smem:$0x3FB1] =	sst s5  }
0xe: {  	[smem:$0x3FB2] =	sst s6  }
0xf: {  	[smem:$0x3FB3] =	sst s7  }
0x10: {  	[smem:$0x3FB4] =	sst s8  }
0x11: {  	[smem:$0x3FB5] =	sst s9;
	s0 =	simm.s32 @!p0 $0x0  }
0x12: {  	s1 =	sld [smem:$0x3F9B];
	s0 =	simm.s32 @p0 $0x1  }
0x13: {  	[smem:$0x3FB6] =	sst s0;
	s0 =	simm.s32 @!p1 $0x0  }
0x14: {  	s2 =	sld [smem:$0x3F9A];
	s0 =	simm.s32 @p1 $0x1  }
0x15: {  	[smem:$0x3FB7] =	sst s0;
	s0 =	simm.s32 @!p2 $0x0  }
0x16: {  	s3 =	sld [smem:$0x3FDB];
	s0 =	simm.s32 @p2 $0x1  }
0x17: {  	s4 =	simm.s32 $0x1BF5;
	[smem:$0x3FB9] =	sst s0  }
0x18: {  	s0 =	sld [smem:$0x3F9C];
	_ =	swait.ge [sflag:s4], $0x0  }
0x19: {  	s7 =	sld [smem:$0x3F9D]  }
0x1a: {  	s8 =	sadd.s32 $0xFFFFE003, lr  }
0x1b: {  	s9 =	sadd.s32 $0xFFFFFEF7, lr;
	s5 =	simm.s32 $0xFFFFFFFF;
	p2 =	slt.u32 s8, $0xFFFFF086  }
0x1c: {  	p1 =	slt.u32 s9, $0xF7A;
	s5 =	simm.s32 @!p2 $0x0  }
0x1d: {  	s5 =	simm.s32 @p1 $0x1;
	p0 =	seq.s32 s7, s2  }
0x1e: {  	s7 =	smul.u32 @!p0 $0xF7A, s2;
	p2 =	seq.s32 @!p0 s5, $0x0  }
0x1f: {  	s9 =	smul.u32 $0xF7A, s1;
	s8 =	simm.s32 @!p0 $0x1BF5;
	p2 =	por !p2, p0  }
0x20: {  	[sflag:s8] =	ssyncset.s32 @!p0 $0xFFFFF086;
	s6 =	sadd.s32 @!p0 s3, s7;
	s7 =	simm.s32 @!p0 $0x108  }
0x21: {  	s3 =	sadd.s32 s3, s9;
	s6 =	sadd.s32 @!p0 $0x88, s6;
	s7 =	simm.s32 @p2 $0x1082  }
0x22: {  	[simem:s7], [sflag:s8] =	dma.local @!p0 [hbm:s6], $0xF7A  }
0x23: {  	s9 =	sor.u32 $0xD0000000, s2;
	s6 =	simm.s32 $0x108;
	_ =	swait.ge @!p0 [sflag:s8], $0x0  }
0x24: {  	s3 =	sadd.s32 $0x88, s3;
	s6 =	simm.s32 @!p1 $0x1082;
	[sflag:s4] =	ssyncset.s32 $0xFFFFF086  }
0x25: {  	[simem:s6], [sflag:s4] =	dma.local [hbm:s3], $0xF7A  }
0x26: {  	[smem:$0x3F9D] =	sst s1;
	(tag) =	ssettag s2;
	_ =	strace s9  }
0x27: {  	s1 =	sld [smem:$0x3FAD]  }
0x28: {  	s2 =	sld [smem:$0x3FAE]  }
0x29: {  	s4 =	sld [smem:$0x3FB0]  }
0x2a: {  	p0 =	seq.s32 s5, $0x0;
	s5 =	sld [smem:$0x3FB1]  }
0x2b: {  	s6 =	sld [smem:$0x3FB2]  }
0x2c: {  	s7 =	sld [smem:$0x3FB3]  }
0x2d: {  	s3 =	simm.s32 $0x108;
	s8 =	sld [smem:$0x3FB4]  }
0x2e: {  	s3 =	simm.s32 @!p0 $0x1082;
	s9 =	sld [smem:$0x3FB5]  }
0x2f: {  	lr =	sadd.s32 s0, s3;
	s0 =	sld [smem:$0x3FAC]  }
0x30: {  	s3 =	sld [smem:$0x3FAF]  }
0x31: {  	[smem:$0x3FB8] =	sst s10  }
0x32: {  	s10 =	sld [smem:$0x3FB6];
	_ =	sdelay $0x3  }
0x33: {  	p0 =	seq.s32 s10, $0x1;
	s10 =	sld [smem:$0x3FB8];
	_ =	sdelay $0x3  }
0x34: {  	[smem:$0x3FB8] =	sst s10  }
0x35: {  	s10 =	sld [smem:$0x3FB7];
	_ =	sdelay $0x3  }
0x36: {  	p1 =	seq.s32 s10, $0x1;
	s10 =	sld [smem:$0x3FB8];
	_ =	sdelay $0x3  }
0x37: {  	[smem:$0x3FB8] =	sst s10  }
0x38: {  	s10 =	sld [smem:$0x3FB9]  }
0x39: {  	_ = 	snop;
	(pc) =	sbr.ind lr, $3  }
0x3a: {  	_ = 	snop  }
0x3b: {  	_ = 	snop  }
0x3c: {  	p2 =	seq.s32 s10, $0x1;
	s10 =	sld [smem:$0x3FB8]  }
0x3d: {  	_ =	shalt  }
0x3e: {  	_ =	shalt  }
0x3f: {  	_ =	shalt  }
0x40: {  	_ =	shalt  }
0x41: {  	_ =	shalt  }
0x42: {  	_ =	shalt  }
0x43: {  	_ =	shalt  }
0x44: {  	_ =	shalt  }
0x45: {  	_ =	shalt  }
0x46: {  	_ =	shalt  }
0x47: {  	_ =	shalt  }
0x48: {  	_ =	shalt  }
0x49: {  	_ =	shalt  }
0x4a: {  	_ =	shalt  }
0x4b: {  	_ =	shalt  }
0x4c: {  	_ =	shalt  }
0x4d: {  	_ =	shalt  }
0x4e: {  	_ =	shalt  }
0x4f: {  	_ =	shalt  }
0x50: {  	_ =	shalt  }
0x51: {  	_ =	shalt  }
0x52: {  	_ =	shalt  }
0x53: {  	_ =	shalt  }
0x54: {  	_ =	shalt  }
0x55: {  	_ =	shalt  }
0x56: {  	_ =	shalt  }
0x57: {  	_ =	shalt  }
0x58: {  	_ =	shalt  }
0x59: {  	_ =	shalt  }
0x5a: {  	_ =	shalt  }
0x5b: {  	_ =	shalt  }
0x5c: {  	_ =	shalt  }
0x5d: {  	_ =	shalt  }
0x5e: {  	_ =	shalt  }
0x5f: {  	_ =	shalt  }
0x60: {  	_ =	shalt  }
0x61: {  	_ =	shalt  }
0x62: {  	_ =	shalt  }
0x63: {  	_ =	shalt  }
0x64: {  	_ =	shalt  }
0x65: {  	_ =	shalt  }
0x66: {  	_ =	shalt  }
0x67: {  	_ =	shalt  }
0x68: {  	_ =	shalt  }
0x69: {  	_ =	shalt  }
0x6a: {  	_ =	shalt  }
0x6b: {  	_ =	shalt  }
0x6c: {  	_ =	shalt  }
0x6d: {  	_ =	shalt  }
0x6e: {  	_ =	shalt  }
0x6f: {  	_ =	shalt  }
0x70: {  	_ =	shalt  }
0x71: {  	_ =	shalt  }
0x72: {  	_ =	shalt  }
0x73: {  	_ =	shalt  }
0x74: {  	_ =	shalt  }
0x75: {  	_ =	shalt  }
0x76: {  	_ =	shalt  }
0x77: {  	_ =	shalt  }
0x78: {  	_ =	shalt  }
0x79: {  	_ =	shalt  }
0x7a: {  	_ =	shalt  }
0x7b: {  	_ =	shalt  }
0x7c: {  	_ =	shalt  }
0x7d: {  	_ =	shalt  }
0x7e: {  	_ =	shalt  }
0x7f: {  	_ =	shalt  }
0x80: {  	_ =	shalt  }
0x81: {  	_ =	shalt  }
0x82: {  	_ =	shalt  }
0x83: {  	_ =	shalt  }
0x84: {  	_ =	shalt  }
0x85: {  	_ =	shalt  }
0x86: {  	_ =	shalt  }
0x87: {  	_ =	shalt  }
.Lfunc_end0:
.L_simem_size_0:
called_computation_lowered:
.L_overlay_start_0:
0x88: {  	s2 =	sld [smem:$0x3FD9]  }
0x89: {  	s3 =	sld [smem:$0x3FFE];
	_ =	sdelay $0x1  }
0x8a: {  	s1 =	srdreg.scid  }
0x8b: {  	s0 =	sand.u32 $0x1, s1  }
0x8c: {  	s17 =	sshll.u32 s0, $0xA;
	s2 =	sadd.s32 s3, s2  }
0x8d: {  	s2 =	sadd.s32 s2, s17  }
0x8e: {  	[smem:$0x3FC4] =	sst s2  }
0x8f: {  	_ = 	snop  }
0x90: {  	s2 =	sld [smem:$0x3FD0];
	(tm) =	ssettm $0x1  }
0x91: {  	s18 =	sld [smem:$0x3FFB];
	_ =	sdelay $0x3  }
0x92: {  	_ =	strace s18  }
0x93: {  	s3 =	sld [smem:$0x3FFC];
	_ =	sdelay $0x3  }
0x94: {  	_ =	strace s3  }
0x95: {  	s3 =	sld [smem:$0x3FFD];
	_ =	sdelay $0x3  }
0x96: {  	_ =	strace s3  }
0x97: {  	_ =	strace $0x8FFFFFFF  }
0x98: {  	s19 =	sld [smem:$0x3FDB];
	_ =	sdelay $0x1  }
0x99: {  	s4 =	simm.s32 $_scs_section_size  }
0x9a: {  	s5 =	simm.s32 $_size__tile_overlayer_lowered;
	s6 =	simm.s32 $_tile_overlayer_lowered  }
0x9b: {  	s22 =	simm.s32 $0x1BFF;
	s21 =	sshll.u32 s6, $0x1;
	s3 =	sadd.s32 s4, s19  }
0x9c: {  	s7 =	simm.s32 $0x0;
	s20 =	sshll.u32 s5, $0x1;
	s5 =	sadd.s32 s21, s3  }
0x9d: {  	[timem:s7], [sflag:s22] =	dma.local [hbm:s5], s20  }
0x9e: {  	_ =	swait.ge [sflag:s22], s20  }
0x9f: {  	s4 =	ssub.s32 $0x0, s20;
	[sflag:s22] =	ssyncset.done $0x0  }
0xa0: {  	[sflag:s22] =	ssyncadd.s32 s4;
	_ =	sdelay $0x1  }
0xa1: {  	s23 =	simm.s32 $0x1B8B  }
0xa2: {  	_ =	swait.ge [sflag:s23], $0x1  }
0xa3: {  	[sflag:s23] =	ssyncset.done $0x0  }
0xa4: {  	s25 =	simm.s32 $0x1B8E;
	s24 =	sld [smem:$0x3FFE];
	[sflag:s23] =	ssyncadd.s32 $0xFFFFFFFF  }
0xa5: {  	s26 =	simm.s32 $execute0_lowered;
	[smem:$0x3FD2] =	sst s25  }
0xa6: {  	s5 =	sshll.u32 s26, $0x1;
	_ =	strace $0x80000046;
	[dreg:$0x1] =	wrdreg $0xFFFFFFFF  }
0xa7: {  	s28 =	simm.s32 $_size_execute0_lowered;
	s3 =	sadd.s32 s3, s5;
	[dreg:$0x0] =	wrdreg $0x0  }
0xa8: {  	s5 =	sshll.u32 s28, $0x1;
	[dreg:$0x2] =	wrdreg s3  }
0xa9: {  	[dreg:$0x3] =	wrdreg s5  }
0xaa: {  	[dreg:$0x4] =	wrdreg $0xC0  }
0xab: {  	_ =	task [dreg:s7], $0x5FFFF  }
0xac: {  	[dreg:$0x1] =	wrdreg $0xFFFFFFFF  }
0xad: {  	[dreg:$0x0] =	wrdreg $0x60  }
0xae: {  	[dreg:$0x2] =	wrdreg s24  }
0xaf: {  	[dreg:$0x3] =	wrdreg s2  }
0xb0: {  	[dreg:$0x4] =	wrdreg $0x9  }
0xb1: {  	_ =	task.clear_ibuf [dreg:s7], $0x5FFFF;
	_ =	strace $0x90000046  }
0xb2: {  	s29 =	simm.s32 $0x9;
	_ =	strace $0x80000048  }
0xb3: {  	_ =	swait.ge [sflag:s29], $0x1  }
0xb4: {  	[sflag:s29] =	ssyncadd.s32 $0xFFFFFFFF  }
0xb5: {  	_ =	strace $0x90000048  }
0xb6: {  	_ =	sfence  }
0xb7: {  	s30 =	sld [smem:$0x0];
	_ =	sdelay $0x2  }
0xb8: {  	s31 =	sshll.u32 s1, $0xD;
	s1 =	sshrl.u32 s1, $0x2  }
0xb9: {  	s3 =	sand.u32 $0x4000, s31;
	s1 =	sadd.s32 s1, s30  }
0xba: {  	s0 =	sor.u32 s3, s0;
	s1 =	sshll.u32 s1, $0x11  }
0xbb: {  	s0 =	sor.u32 s1, s0  }
0xbc: {  	s0 =	sadd.s32 $0x8F2B, s0  }
0xbd: {  	[sflag:s0] =	ssyncadd.remote.s32 $0x1  }
0xbe: {  	_ =	sfence.sel $0xFFFF  }
0xbf: {  	[dreg:$0x0] =	wrdreg $0xFFFFFFFF;
	(pc) =	sbr.abs _section_cstart, $3  }
0xc0: {  	[dreg:$0x1] =	wrdreg $0xFFFFFFFF  }
0xc1: {  	_ =	task.clear_ibuf [dreg:s7], $0x2FFFF;
	_ =	strace $0x9FFFFFFF  }
0xc2: {  	(tm) =	ssettm $0x7FFFFFFF  }
0xc3: {  	_ =	shalt  }
tec
execute0_lowered:
.L_overlay_start_1:
0x0: {  	(tag) =	ssettag $0x1  }
0x1: {  	s1 =	srdreg.scid  }
0x2: {  	s0 =	stileid.u32;
	s3 =	rddreg [dreg:$0x0]  }
0x3: {  	s5 =	rddreg [dreg:$0x1];
	s4 =	sand.u32 $0x1, s1;
	s30 =	sshll.u32 s0, $0x1  }
0x4: {  	s2 =	simm.s32 $0x0;
	s8 =	simm.s32 $0x2;
	s6 =	sor.u32 s4, s30  }
0x5: {  	s9 =	simm.s32 $0x0;
	s1 =	rddreg [dreg:$0x2];
	s7 =	smul.u32 $0x4E2, s6  }
0x6: {  	[smem:$0x7FF] =	sst s2;
	s4 =	ssub.s32 $0x2, s4;
	s6 =	smul.u32 $0x500, s6  }
0x7: {  	_ =	strace $0x80000047;
	s31 =	sshrl.u32 s4, $0x1;
	s3 =	sadd.s32 s7, s3  }
0x8: {  	s7 =	ssub.s32 s4, s31;
	s4 =	sadd.s32 s5, s6;
	s6 =	simm.s32 $0x1  }
0x9: {  	v0 =	vimm.f32 $0.0e+00;
	v1 =	vimm.f32 $1.000000000e+00;
	s3 =	sadd.s32 $0xE00, s3;
	s5 =	smax.u32 s7, $0x1;
	s7 =	simm.s32 $0x2710  }
.LBB2_1:
0xa: {  	[tilespmem:s2], [sflag:$0x1] =	stream.linear.gather [hbm4b:s3+s2], $0x2710, $0x38;
	[tilespmem:$0x4F10] =	vst v63  }
0xb: {  	s10 =	simm.s32 $0x0;
	s11 =	simm.s32 $0x800  }
.LBB2_2:
0xc: {  	p0 =	sne.s32 s11, $0x9800;
	[tilespmem:s10+$0x2900] =	vst v0  }
0xd: {  	[tilespmem:s10+$0x2710] =	vst v0  }
0xe: {  	[tilespmem:s10+$0x2720] =	vst v0  }
0xf: {  	[tilespmem:s10+$0x2730] =	vst v0  }
0x10: {  	[tilespmem:s10+$0x2740] =	vst v0  }
0x11: {  	[tilespmem:s10+$0x2750] =	vst v0  }
0x12: {  	[tilespmem:s10+$0x2760] =	vst v0  }
0x13: {  	[tilespmem:s10+$0x2770] =	vst v0  }
0x14: {  	[tilespmem:s10+$0x2780] =	vst v0  }
0x15: {  	[tilespmem:s10+$0x2790] =	vst v0  }
0x16: {  	[tilespmem:s10+$0x27A0] =	vst v0  }
0x17: {  	[tilespmem:s10+$0x27B0] =	vst v0  }
0x18: {  	[tilespmem:s10+$0x27C0] =	vst v0  }
0x19: {  	[tilespmem:s10+$0x27D0] =	vst v0  }
0x1a: {  	[tilespmem:s10+$0x27E0] =	vst v0  }
0x1b: {  	[tilespmem:s10+$0x27F0] =	vst v0  }
0x1c: {  	[tilespmem:s10+$0x2800] =	vst v0  }
0x1d: {  	[tilespmem:s10+$0x2810] =	vst v0  }
0x1e: {  	[tilespmem:s10+$0x2820] =	vst v0  }
0x1f: {  	[tilespmem:s10+$0x2830] =	vst v0  }
0x20: {  	[tilespmem:s10+$0x2840] =	vst v0  }
0x21: {  	[tilespmem:s10+$0x2850] =	vst v0  }
0x22: {  	[tilespmem:s10+$0x2860] =	vst v0  }
0x23: {  	[tilespmem:s10+$0x2870] =	vst v0  }
0x24: {  	[tilespmem:s10+$0x2880] =	vst v0  }
0x25: {  	[tilespmem:s10+$0x2890] =	vst v0  }
0x26: {  	[tilespmem:s10+$0x28A0] =	vst v0  }
.Ltmp0:
0x27: {  	[tilespmem:s10+$0x28B0] =	vst v0;
	(pc) =	sbr.rel @p0 .LBB2_2-.Ltmp0, $4  }
0x28: {  	[tilespmem:s10+$0x28C0] =	vst v0  }
0x29: {  	[tilespmem:s10+$0x28D0] =	vst v0  }
0x2a: {  	[tilespmem:s10+$0x28E0] =	vst v0  }
0x2b: {  	[tilespmem:s10+$0x28F0] =	vst v0;
	s10 =	sshra.s32 s11, $0x2;
	s11 =	sadd.s32 $0x800, s11  }
0x2c: {  	[tilespmem:s10+$0x2900] =	vst v0  }
0x2d: {  	[tilespmem:s10+$0x2710] =	vst v0  }
0x2e: {  	[tilespmem:s10+$0x2720] =	vst v0  }
0x2f: {  	[tilespmem:s10+$0x2730] =	vst v0  }
0x30: {  	[tilespmem:s10+$0x2740] =	vst v0  }
0x31: {  	[tilespmem:s10+$0x2750] =	vst v0  }
0x32: {  	[tilespmem:s10+$0x2760] =	vst v0  }
0x33: {  	[tilespmem:s10+$0x2770] =	vst v0  }
0x34: {  	[tilespmem:s10+$0x2780] =	vst v0  }
0x35: {  	[tilespmem:s10+$0x2790] =	vst v0  }
0x36: {  	[tilespmem:s10+$0x27A0] =	vst v0  }
0x37: {  	[tilespmem:s10+$0x27B0] =	vst v0  }
0x38: {  	[tilespmem:s10+$0x27C0] =	vst v0  }
0x39: {  	[tilespmem:s10+$0x27D0] =	vst v0  }
0x3a: {  	[tilespmem:s10+$0x27E0] =	vst v0  }
0x3b: {  	[tilespmem:s10+$0x27F0] =	vst v0  }
0x3c: {  	[tilespmem:s10+$0x2800] =	vst v0  }
0x3d: {  	[tilespmem:s10+$0x2810] =	vst v0  }
0x3e: {  	[tilespmem:s10+$0x2820] =	vst v0  }
0x3f: {  	[tilespmem:s10+$0x2830] =	vst v0  }
0x40: {  	[tilespmem:s10+$0x2840] =	vst v0  }
0x41: {  	[tilespmem:s10+$0x2850] =	vst v0  }
0x42: {  	[tilespmem:s10+$0x2860] =	vst v0  }
0x43: {  	[tilespmem:s10+$0x2870] =	vst v0  }
0x44: {  	[tilespmem:s10+$0x2880] =	vst v0  }
0x45: {  	[tilespmem:s10+$0x2890] =	vst v0  }
0x46: {  	[tilespmem:s10+$0x28A0] =	vst v0  }
0x47: {  	[tilespmem:s10+$0x28B0] =	vst v0  }
0x48: {  	[tilespmem:s10+$0x28C0] =	vst v0  }
0x49: {  	[tilespmem:s10+$0x28D0] =	vst v0  }
0x4a: {  	[tilespmem:s10+$0x28E0] =	vst v0  }
0x4b: {  	[tilespmem:s10+$0x28F0] =	vst v0  }
0x4c: {  	_ =	swait.ge [sflag:s6], $0x2710  }
0x4d: {  	[sflag:s6] =	ssyncset.done $0x0  }
0x4e: {  	s10 =	simm.s32 $0x0;
	[sflag:s6] =	ssyncadd.s32 $0xFFFFD8F0  }
.LBB2_4:
0x4f: {  	s11 =	sshra.s32 s10, $0x2  }
0x50: {  	v2 =	vld [tilespmem:s11+$0x0];
	_ =	sdelay $0x7  }
0x51: {  	[tilespmem:v2+s7+$0x0] =	vst.idx.msk $0xffff, v1  }
0x52: {  	v2 =	vld [tilespmem:s11+$0x10];
	_ =	sdelay $0x7  }
0x53: {  	[tilespmem:v2+s7+$0x0] =	vst.idx.msk $0xffff, v1  }
0x54: {  	v2 =	vld [tilespmem:s11+$0x20];
	_ =	sdelay $0x7  }
0x55: {  	[tilespmem:v2+s7+$0x0] =	vst.idx.msk $0xffff, v1  }
0x56: {  	v2 =	vld [tilespmem:s11+$0x30];
	_ =	sdelay $0x7  }
0x57: {  	[tilespmem:v2+s7+$0x0] =	vst.idx.msk $0xffff, v1  }
0x58: {  	v2 =	vld [tilespmem:s11+$0x40];
	_ =	sdelay $0x7  }
0x59: {  	[tilespmem:v2+s7+$0x0] =	vst.idx.msk $0xffff, v1  }
0x5a: {  	v2 =	vld [tilespmem:s11+$0x50];
	_ =	sdelay $0x7  }
0x5b: {  	[tilespmem:v2+s7+$0x0] =	vst.idx.msk $0xffff, v1  }
0x5c: {  	v2 =	vld [tilespmem:s11+$0x60];
	_ =	sdelay $0x7  }
0x5d: {  	[tilespmem:v2+s7+$0x0] =	vst.idx.msk $0xffff, v1  }
0x5e: {  	v2 =	vld [tilespmem:s11+$0x70];
	_ =	sdelay $0x7  }
0x5f: {  	[tilespmem:v2+s7+$0x0] =	vst.idx.msk $0xffff, v1  }
0x60: {  	v2 =	vld [tilespmem:s11+$0x80];
	_ =	sdelay $0x7  }
0x61: {  	[tilespmem:v2+s7+$0x0] =	vst.idx.msk $0xffff, v1  }
0x62: {  	v2 =	vld [tilespmem:s11+$0x90];
	_ =	sdelay $0x7  }
0x63: {  	[tilespmem:v2+s7+$0x0] =	vst.idx.msk $0xffff, v1  }
0x64: {  	v2 =	vld [tilespmem:s11+$0xA0];
	_ =	sdelay $0x7  }
0x65: {  	[tilespmem:v2+s7+$0x0] =	vst.idx.msk $0xffff, v1  }
0x66: {  	v2 =	vld [tilespmem:s11+$0xB0];
	_ =	sdelay $0x7  }
0x67: {  	[tilespmem:v2+s7+$0x0] =	vst.idx.msk $0xffff, v1  }
0x68: {  	v2 =	vld [tilespmem:s11+$0xC0];
	_ =	sdelay $0x7  }
0x69: {  	[tilespmem:v2+s7+$0x0] =	vst.idx.msk $0xffff, v1  }
0x6a: {  	v2 =	vld [tilespmem:s11+$0xD0];
	_ =	sdelay $0x7  }
0x6b: {  	[tilespmem:v2+s7+$0x0] =	vst.idx.msk $0xffff, v1  }
0x6c: {  	v2 =	vld [tilespmem:s11+$0xE0];
	_ =	sdelay $0x7  }
0x6d: {  	[tilespmem:v2+s7+$0x0] =	vst.idx.msk $0xffff, v1  }
0x6e: {  	v2 =	vld [tilespmem:s11+$0xF0];
	_ =	sdelay $0x7  }
0x6f: {  	[tilespmem:v2+s7+$0x0] =	vst.idx.msk $0xffff, v1  }
0x70: {  	v2 =	vld [tilespmem:s11+$0x100];
	_ =	sdelay $0x7  }
0x71: {  	[tilespmem:v2+s7+$0x0] =	vst.idx.msk $0xffff, v1  }
0x72: {  	v2 =	vld [tilespmem:s11+$0x110];
	_ =	sdelay $0x7  }
0x73: {  	[tilespmem:v2+s7+$0x0] =	vst.idx.msk $0xffff, v1  }
0x74: {  	v2 =	vld [tilespmem:s11+$0x120];
	_ =	sdelay $0x7  }
0x75: {  	[tilespmem:v2+s7+$0x0] =	vst.idx.msk $0xffff, v1  }
0x76: {  	v2 =	vld [tilespmem:s11+$0x130];
	_ =	sdelay $0x7  }
0x77: {  	[tilespmem:v2+s7+$0x0] =	vst.idx.msk $0xffff, v1  }
0x78: {  	v2 =	vld [tilespmem:s11+$0x140];
	_ =	sdelay $0x7  }
0x79: {  	[tilespmem:v2+s7+$0x0] =	vst.idx.msk $0xffff, v1  }
0x7a: {  	v2 =	vld [tilespmem:s11+$0x150];
	_ =	sdelay $0x7  }
0x7b: {  	[tilespmem:v2+s7+$0x0] =	vst.idx.msk $0xffff, v1  }
0x7c: {  	v2 =	vld [tilespmem:s11+$0x160];
	_ =	sdelay $0x7  }
0x7d: {  	[tilespmem:v2+s7+$0x0] =	vst.idx.msk $0xffff, v1  }
0x7e: {  	v2 =	vld [tilespmem:s11+$0x170];
	_ =	sdelay $0x7  }
0x7f: {  	[tilespmem:v2+s7+$0x0] =	vst.idx.msk $0xffff, v1  }
0x80: {  	v2 =	vld [tilespmem:s11+$0x180];
	_ =	sdelay $0x2  }
0x81: {  	p0 =	sne.s32 s10, $0x9600  }
.Ltmp1:
0x82: {  	_ = 	snop;
	(pc) =	sbr.rel @p0 .LBB2_4-.Ltmp1, $2  }
0x83: {  	_ =	sdelay $0x2  }
0x84: {  	s10 =	sadd.s32 $0x640, s10;
	[tilespmem:v2+s7+$0x0] =	vst.idx.msk $0xffff, v1  }
0x85: {  	s9 =	sadd.s32 $0x1, s9  }
0x86: {  	p0 =	sne.s32 s9, s5  }
.Ltmp2:
0x87: {  	_ = 	snop;
	(pc) =	sbr.rel @p0 .LBB2_1-.Ltmp2, $4  }
0x88: {  	[hbm4b:s4+s2] =	stream.linear.scatter [tilespmem:s7], [sflag:$0x2], $0x2800, $0x38;
	[tilespmem:$0x4F10] =	vst v63  }
0x89: {  	_ =	swait.ge [sflag:s8], $0x2800  }
0x8a: {  	[sflag:s8] =	ssyncset.done $0x0  }
0x8b: {  	[sflag:s8] =	ssyncadd.s32 $0xFFFFD800  }
0x8c: {  	_ =	sfence.sel $0x180000  }
0x8d: {  	[bflag:$0x0] =	sbarrier.arrive $0xFFFF  }
0x8e: {  	p0 =	sne.s32 s0, $0x0;
	_ =	strace $0x90000047  }
0x8f: {  	s0 =	sadd.s32 @!p0 $0x100000, s1;
	[bflag:$0x2] =	sbarrier.arrive $0xFFFF  }
0x90: {  	[sflag:s0] =	ssyncadd.tile.s32 @!p0 $0x1;
	_ =	shalt  }
.Lfunc_end2:
_tile_overlayer_lowered:
.L_overlay_start_2:
0x91: {  	(tag) =	ssettag $0x2  }
0x92: {  	s0 =	rddreg [dreg:$0x0];
	s2 =	stileid.u32  }
0x93: {  	s1 =	rddreg [dreg:$0x1];
	p0 =	sne.s32 s2, $0x0  }
0x94: {  	s3 =	rddreg [dreg:$0x2];
	[bflag:$0x3] =	sbarrier.arrive $0xFFFF;
	s2 =	simm.s32 @!p0 $0x1C02  }
0x95: {  	[timem:s3], [sflag:s2] =	dma.local @!p0 [hbm:s0], s1  }
0x96: {  	s0 =	simm.s32 @!p0 $0x2  }
0x97: {  	_ =	swait.ge @!p0 [sflag:s0], s1  }
0x98: {  	s1 =	ssub.s32 @!p0 $0x0, s1;
	[sflag:s0] =	ssyncset.done @!p0 $0x0  }
0x99: {  	[sflag:s0] =	ssyncadd.s32 @!p0 s1  }
0x9a: {  	[bflag:$0x3] =	sbarrier.arrive $0xFFFF  }
0x9b: {  	_ =	shalt  }

</sc_bundles>
